<compile_context>
chip_gen: v7x
topology: tpu7x:2x2x1
jax: 0.10.2.dev20260603
libtpu: 0.0.44.dev20260713+nightly
codegen_flags: <defaults>
</compile_context>

<pallas_src>
import functools

import jax
import jax.numpy as jnp
from jax import lax
from jax.experimental import pallas as pl
from jax.experimental.pallas import tpu as pltpu
from jax.experimental.pallas import tpu_sc as plsc

N = 100
S = 512
F = 128
H = 256
E = 3200
NW = 32
EPW = 128
NACT = E // EPW
CHUNK = 128
NCHUNK = S // CHUNK
NR = 104



NP = 128
AFLAT = N * NP


def _sc_adj_body(ei_hbm, zero_hbm, out_hbm, src_v, dst_v, acc_v):
    c = lax.axis_index("c")
    s = lax.axis_index("s")
    wid = s * 2 + c
    base = wid * EPW
    pltpu.sync_copy(zero_hbm, acc_v)

    @pl.when(wid < NACT)
    def _():
        pltpu.sync_copy(ei_hbm.at[0, pl.ds(base, EPW)], src_v)
        pltpu.sync_copy(ei_hbm.at[1, pl.ds(base, EPW)], dst_v)
        ones = jnp.ones((16,), jnp.float32)
        for j in range(EPW // 16):
            sl = src_v[pl.ds(j * 16, 16)]
            dl = dst_v[pl.ds(j * 16, 16)]
            plsc.addupdate_scatter(acc_v, [sl * NP + dl], ones)

    pltpu.sync_copy(acc_v, out_hbm.at[wid])


def _sc_adj(ei, zero_flat):
    mesh = plsc.VectorSubcoreMesh(core_axis_name="c", subcore_axis_name="s")
    fn = functools.partial(
        pl.kernel,
        mesh=mesh,
        compiler_params=pltpu.CompilerParams(needs_layout_passes=False),
        out_type=jax.ShapeDtypeStruct((NW, AFLAT), jnp.float32),
        scratch_types=[
            pltpu.VMEM((EPW,), jnp.int32),
            pltpu.VMEM((EPW,), jnp.int32),
            pltpu.VMEM((AFLAT,), jnp.float32),
        ],
    )(_sc_adj_body)
    return fn(ei, zero_flat)



def _gru_body(x_ref, wih_ref, whh_ref, bih_ref, bhh_ref, out_ref, xb_ref):
    i = pl.program_id(0)

    @pl.when(i == 0)
    def _():
        out_ref[...] = jnp.zeros_like(out_ref)

    xb_ref[...] = x_ref[...].astype(jnp.bfloat16)
    wih = wih_ref[...].astype(jnp.bfloat16)
    whh = whh_ref[...].astype(jnp.bfloat16)
    bih = bih_ref[...]
    bhh = bhh_ref[...]
    brz = bih + bhh

    def step(t, carry):
        h, hb = carry
        x_t = xb_ref[t]
        gi_t = jnp.dot(x_t, wih, preferred_element_type=jnp.float32)
        gh = jnp.dot(hb, whh, preferred_element_type=jnp.float32)
        rz_in = gi_t[:, :2 * H] + gh[:, :2 * H] + brz[:, :2 * H]
        rz = jnp.tanh(rz_in * 0.5) * 0.5 + 0.5
        r = rz[:, :H]
        z = rz[:, H:]
        n = jnp.tanh(gi_t[:, 2 * H:] + bih[:, 2 * H:]
                     + r * (gh[:, 2 * H:] + bhh[:, 2 * H:]))
        h_new = n + z * (h - n)
        return h_new, h_new.astype(jnp.bfloat16)

    h0 = out_ref[...]
    h_fin, _ = lax.fori_loop(
        0, CHUNK, step, (h0, h0.astype(jnp.bfloat16)), unroll=4
    )
    out_ref[...] = h_fin


def _gru_call(node_feat, wih_t, whh_t, bih2, bhh2):
    return pl.pallas_call(
        _gru_body,
        grid=(NCHUNK,),
        in_specs=[
            pl.BlockSpec((CHUNK, N, F), lambda i: (i, 0, 0)),
            pl.BlockSpec((F, 3 * H), lambda i: (0, 0)),
            pl.BlockSpec((H, 3 * H), lambda i: (0, 0)),
            pl.BlockSpec((1, 3 * H), lambda i: (0, 0)),
            pl.BlockSpec((1, 3 * H), lambda i: (0, 0)),
        ],
        out_specs=pl.BlockSpec((N, H), lambda i: (0, 0)),
        out_shape=jax.ShapeDtypeStruct((N, H), jnp.float32),
        scratch_shapes=[pltpu.VMEM((CHUNK, N, F), jnp.bfloat16)],
    )(node_feat, wih_t, whh_t, bih2, bhh2)



def _gnn_body(adj_ref, h_ref, emb_ref, flat_ref, fw_ref, fb_ref,
              s1l_ref, s1b_ref, s1r_ref,
              s2l_ref, s2b_ref, s2r_ref, ow_ref, ob_ref, out_ref):
    s1l = s1l_ref[...]
    s1r = s1r_ref[...]
    a1_, a2_, a3_ = s1l[:H], s1l[H:H + 64], s1l[H + 64:]
    b1_, b2_, b3_ = s1r[:H], s1r[H:H + 64], s1r[H + 64:]
    ow = ow_ref[...]
    w2_ = ow[:, :128]
    wh_ = ow[:, 128:]
    a_t = jnp.sum(adj_ref[...], axis=0)

    def smm(at, x):
        return lax.dot_general(
            at, x, (((0,), (0,)), ((), ())),
            preferred_element_type=jnp.float32,
        )

    ones_n = jnp.ones((N, 1), jnp.float32)
    dn = jnp.maximum(smm(a_t, ones_n), 1.0)[:N]
    h = h_ref[...]
    emb = emb_ref[...]
    xf = (
        jnp.dot(flat_ref[...], fw_ref[...], preferred_element_type=jnp.float32)
        + fb_ref[...]
    )

    def mm(a, b):
        return jnp.dot(a, b, preferred_element_type=jnp.float32)

    mh = smm(a_t, h)[:N] / dn
    me = smm(a_t, emb)[:N] / dn
    mf = smm(a_t, xf)[:N] / dn
    h1 = jax.nn.relu(
        mm(mh, a1_) + mm(me, a2_) + mm(mf, a3_)
        + s1b_ref[...]
        + mm(h, b1_) + mm(emb, b2_) + mm(xf, b3_)
    )
    m1 = smm(a_t, h1)[:N] / dn
    h2 = mm(m1, s2l_ref[...]) + s2b_ref[...] + mm(h1, s2r_ref[...])
    out = (
        jnp.sum(h2 * w2_, axis=1, keepdims=True)
        + jnp.sum(h * wh_, axis=1, keepdims=True)
        + ob_ref[...]
    )
    out_ref[...] = out


def _gnn_call(*args):
    return pl.pallas_call(
        _gnn_body,
        out_shape=jax.ShapeDtypeStruct((N, 1), jnp.float32),
    )(*args)



def kernel(node_feat, flat, edge_index, W_ih, W_hh, b_ih, b_hh, emb_weight,
           flat_W, flat_b, s1_l_W, s1_l_b, s1_r_W, s2_l_W, s2_l_b, s2_r_W,
           out_W, out_b):
    ei = edge_index.astype(jnp.int32)
    adj_parts = _sc_adj(ei, jnp.zeros((AFLAT,), jnp.float32))
    adj_parts = adj_parts.reshape(NW, N, NP)

    h_last = _gru_call(
        node_feat, W_ih.T, W_hh.T, b_ih.reshape(1, -1), b_hh.reshape(1, -1)
    )

    out = _gnn_call(
        adj_parts, h_last, emb_weight, flat, flat_W.T, flat_b.reshape(1, -1),
        s1_l_W.T, s1_l_b.reshape(1, -1), s1_r_W.T,
        s2_l_W.T, s2_l_b.reshape(1, -1), s2_r_W.T,
        out_W, out_b.reshape(1, 1),
    )
    return out.reshape(N)

# --- scband reference (transcript-rebuilt; emitter-appended) ---
"""Pipeline reference for scband-rnn-gnn-5884105195705 (READ-ONLY COPY).

The authoritative reference and input builder live on the scoring server;
editing this copy changes nothing except your own understanding.
"""

import jax, jax.numpy as jnp
import numpy as np

N = 100
S = 512
F = 128
H = 256
EMB = 64
FLAT_IN = 32
FLAT_OUT = 32
GNN_IN = H + EMB + FLAT_OUT  # 352, concat_before=True
GNN_HID = 256
GNN_OUT = 128
LAST = GNN_OUT + H  # 384, concat_rnn=True
E = 3200

def setup_inputs(seed: int = 0) -> dict:
    key = jax.random.key(seed)
    ks = jax.random.split(key, 20)
    inp = {}
    inp['node_feat'] = jax.random.normal(ks[0], (S, N, F), dtype=jnp.float32)
    inp['flat'] = jax.random.normal(ks[1], (N, FLAT_IN), dtype=jnp.float32)
    inp['edge_index'] = jax.random.randint(ks[2], (2, E), 0, N, dtype=jnp.int64)
    # GRU params (PyTorch layout: [3H, in])
    inp['W_ih'] = jax.random.normal(ks[3], (3 * H, F), dtype=jnp.float32) * 0.02
    inp['W_hh'] = jax.random.normal(ks[4], (3 * H, H), dtype=jnp.float32) * 0.02
    inp['b_ih'] = jnp.zeros((3 * H,), dtype=jnp.float32)
    inp['b_hh'] = jnp.zeros((3 * H,), dtype=jnp.float32)
    inp['emb_weight'] = jax.random.normal(ks[5], (N, EMB), dtype=jnp.float32)
    inp['flat_W'] = jax.random.normal(ks[6], (FLAT_OUT, FLAT_IN), dtype=jnp.float32) * 0.05
    inp['flat_b'] = jnp.zeros((FLAT_OUT,), dtype=jnp.float32)
    # SAGEConv 1: lin_l applies to aggregated neighbors (with bias), lin_r to root
    inp['s1_l_W'] = jax.random.normal(ks[7], (GNN_HID, GNN_IN), dtype=jnp.float32) * 0.05
    inp['s1_l_b'] = jnp.zeros((GNN_HID,), dtype=jnp.float32)
    inp['s1_r_W'] = jax.random.normal(ks[8], (GNN_HID, GNN_IN), dtype=jnp.float32) * 0.05
    # SAGEConv 2
    inp['s2_l_W'] = jax.random.normal(ks[9], (GNN_OUT, GNN_HID), dtype=jnp.float32) * 0.05
    inp['s2_l_b'] = jnp.zeros((GNN_OUT,), dtype=jnp.float32)
    inp['s2_r_W'] = jax.random.normal(ks[10], (GNN_OUT, GNN_HID), dtype=jnp.float32) * 0.05
    inp['out_W'] = jax.random.normal(ks[11], (1, LAST), dtype=jnp.float32) * 0.05
    inp['out_b'] = jnp.zeros((1,), dtype=jnp.float32)
    return inp

def _gru_last(node_feat, W_ih, W_hh, b_ih, b_hh):
    # node_feat: [S, N, F]; scan over time, return last hidden [N, H]
    h0 = jnp.zeros((node_feat.shape[1], H), dtype=node_feat.dtype)
    def step(h, x_t):
        gi = x_t @ W_ih.T + b_ih
        gh = h @ W_hh.T + b_hh
        i_r, i_z, i_n = jnp.split(gi, 3, axis=-1)
        h_r, h_z, h_n = jnp.split(gh, 3, axis=-1)
        r = jax.nn.sigmoid(i_r + h_r)
        z = jax.nn.sigmoid(i_z + h_z)
        n = jnp.tanh(i_n + r * h_n)
        h_new = (1.0 - z) * n + z * h
        return h_new, None
    h_last, _ = jax.lax.scan(step, h0, node_feat)
    return h_last

def _sage(x, src, dst, l_W, l_b, r_W):
    msg = x[src]
    agg = jax.ops.segment_sum(msg, dst, num_segments=N)
    cnt = jax.ops.segment_sum(jnp.ones((dst.shape[0],), dtype=x.dtype), dst, num_segments=N)
    mean = agg / jnp.clip(cnt, 1.0, None)[:, None]
    return mean @ l_W.T + l_b + x @ r_W.T

def reference(node_feat, flat, edge_index, W_ih, W_hh, b_ih, b_hh, emb_weight,
              flat_W, flat_b, s1_l_W, s1_l_b, s1_r_W, s2_l_W, s2_l_b, s2_r_W,
              out_W, out_b):
    # torch.transpose(0,1) then RNN over time; equivalent to scanning axis 0
    enc_out = _gru_last(node_feat, W_ih, W_hh, b_ih, b_hh)  # [N, H]
    x_flat = flat @ flat_W.T + flat_b  # [N, FLAT_OUT]
    gnn_input = jnp.concatenate([enc_out, emb_weight, x_flat], axis=-1)  # [N, GNN_IN]
    src = edge_index[0]
    dst = edge_index[1]
    h1 = jax.nn.relu(_sage(gnn_input, src, dst, s1_l_W, s1_l_b, s1_r_W))
    h2 = _sage(h1, src, dst, s2_l_W, s2_l_b, s2_r_W)  # [N, GNN_OUT]
    gnn_output = jnp.concatenate([h2, enc_out], axis=-1)  # [N, LAST]
    out = gnn_output @ out_W.T + out_b  # dropout p=0 (eval)
    return out.squeeze(-1)

if __name__ == "__main__":
    import jax
    _d = setup_inputs()
    print(jax.jit(kernel)(*tuple(_d.values())))

</pallas_src>

<mosaic_0001>
#map = affine_map<(d0, d1) -> (0, 0)>
#map1 = affine_map<(d0, d1) -> (0)>
module attributes {stable_mosaic.version = 14 : i64} {
  func.func @_sc_adj_body(%arg0: i32, %arg1: i32, %arg2: memref<2x3200xi32, #tpu.memory_space<hbm>>, %arg3: memref<12800xf32, #tpu.memory_space<hbm>>, %arg4: memref<32x12800xf32, #tpu.memory_space<hbm>>, %arg5: memref<128xi32, #tpu.memory_space<vmem>>, %arg6: memref<128xi32, #tpu.memory_space<vmem>>, %arg7: memref<12800xf32, #tpu.memory_space<vmem>>) attributes {dimension_semantics = [#tpu.dimension_semantics<core_parallel>, #tpu.dimension_semantics<subcore_parallel>], iteration_bounds = array<i64: 2, 16>, scalar_prefetch = 0 : i64, scratch_operands = 3 : i64, tpu.core_type = #tpu.core_type<sc_vector_subcore>, window_params = [{transform_indices = #map}, {transform_indices = #map1}, {transform_indices = #map}]} {
    %mul3A = arith.constant 2 : i32
    %mul3A_0 = arith.muli %arg1, %mul3A : i32
    %add3A = arith.addi %mul3A_0, %arg0 : i32
    %mul3A_1 = arith.constant 128 : i32
    %mul3A_2 = arith.muli %add3A, %mul3A_1 : i32
    "tpu.region"() ({
      %run_scoped3A = tpu.sem_alloc : memref<!tpu.dma_semaphore, #tpu.memory_space<semaphore_mem>>
      tpu.enqueue_dma source(%arg3 : memref<12800xf32, #tpu.memory_space<hbm>>) target(%arg7 : memref<12800xf32, #tpu.memory_space<vmem>>) target_semaphore(%run_scoped3A : memref<!tpu.dma_semaphore, #tpu.memory_space<semaphore_mem>>)
      tpu.wait_dma2 semaphore(%run_scoped3A : memref<!tpu.dma_semaphore, #tpu.memory_space<semaphore_mem>>) src(%arg3 : memref<12800xf32, #tpu.memory_space<hbm>>) dst(%arg7 : memref<12800xf32, #tpu.memory_space<vmem>>)
      tpu.yield
    }) : () -> ()
    %lt3A = arith.constant 25 : i32
    %lt3A_3 = arith.cmpi slt, %add3A, %lt3A : i32
    %convert_element_type3A = arith.extui %lt3A_3 : i1 to i32
    %cond3A = arith.constant 0 : i32
    %cond3A_4 = arith.cmpi ne, %convert_element_type3A, %cond3A : i32
    scf.if %cond3A_4 {
      %run_scoped3A = arith.constant 0 : i32
      "tpu.region"() ({
        %run_scoped3A_70 = tpu.sem_alloc : memref<!tpu.dma_semaphore, #tpu.memory_space<semaphore_mem>>
        %dma_start3A = tpu.memref_slice %arg2[%run_scoped3A, %mul3A_2] : memref<2x3200xi32, #tpu.memory_space<hbm>> -> memref<1x128xi32, #tpu.memory_space<hbm>>
        %dma_start3A_71 = tpu.memref_squeeze %dma_start3A : memref<1x128xi32, #tpu.memory_space<hbm>> -> memref<128xi32, #tpu.memory_space<hbm>>
        %dma_start3A_72 = tpu.memref_slice %arg2[%run_scoped3A, %mul3A_2] : memref<2x3200xi32, #tpu.memory_space<hbm>> -> memref<1x128xi32, #tpu.memory_space<hbm>>
        %dma_start3A_73 = tpu.memref_squeeze %dma_start3A_72 : memref<1x128xi32, #tpu.memory_space<hbm>> -> memref<128xi32, #tpu.memory_space<hbm>>
        tpu.enqueue_dma source(%dma_start3A_73 : memref<128xi32, #tpu.memory_space<hbm>>) target(%arg5 : memref<128xi32, #tpu.memory_space<vmem>>) target_semaphore(%run_scoped3A_70 : memref<!tpu.dma_semaphore, #tpu.memory_space<semaphore_mem>>)
        %dma_wait3A = tpu.memref_slice %arg2[%run_scoped3A, %mul3A_2] : memref<2x3200xi32, #tpu.memory_space<hbm>> -> memref<1x128xi32, #tpu.memory_space<hbm>>
        %dma_wait3A_74 = tpu.memref_squeeze %dma_wait3A : memref<1x128xi32, #tpu.memory_space<hbm>> -> memref<128xi32, #tpu.memory_space<hbm>>
        %dma_wait3A_75 = tpu.memref_slice %arg2[%run_scoped3A, %mul3A_2] : memref<2x3200xi32, #tpu.memory_space<hbm>> -> memref<1x128xi32, #tpu.memory_space<hbm>>
        %dma_wait3A_76 = tpu.memref_squeeze %dma_wait3A_75 : memref<1x128xi32, #tpu.memory_space<hbm>> -> memref<128xi32, #tpu.memory_space<hbm>>
        tpu.wait_dma2 semaphore(%run_scoped3A_70 : memref<!tpu.dma_semaphore, #tpu.memory_space<semaphore_mem>>) src(%dma_wait3A_76 : memref<128xi32, #tpu.memory_space<hbm>>) dst(%arg5 : memref<128xi32, #tpu.memory_space<vmem>>)
        tpu.yield
      }) : () -> ()
      %run_scoped3A_5 = arith.constant 1 : i32
      "tpu.region"() ({
        %run_scoped3A_70 = tpu.sem_alloc : memref<!tpu.dma_semaphore, #tpu.memory_space<semaphore_mem>>
        %dma_start3A = tpu.memref_slice %arg2[%run_scoped3A_5, %mul3A_2] : memref<2x3200xi32, #tpu.memory_space<hbm>> -> memref<1x128xi32, #tpu.memory_space<hbm>>
        %dma_start3A_71 = tpu.memref_squeeze %dma_start3A : memref<1x128xi32, #tpu.memory_space<hbm>> -> memref<128xi32, #tpu.memory_space<hbm>>
        %dma_start3A_72 = tpu.memref_slice %arg2[%run_scoped3A_5, %mul3A_2] : memref<2x3200xi32, #tpu.memory_space<hbm>> -> memref<1x128xi32, #tpu.memory_space<hbm>>
        %dma_start3A_73 = tpu.memref_squeeze %dma_start3A_72 : memref<1x128xi32, #tpu.memory_space<hbm>> -> memref<128xi32, #tpu.memory_space<hbm>>
        tpu.enqueue_dma source(%dma_start3A_73 : memref<128xi32, #tpu.memory_space<hbm>>) target(%arg6 : memref<128xi32, #tpu.memory_space<vmem>>) target_semaphore(%run_scoped3A_70 : memref<!tpu.dma_semaphore, #tpu.memory_space<semaphore_mem>>)
        %dma_wait3A = tpu.memref_slice %arg2[%run_scoped3A_5, %mul3A_2] : memref<2x3200xi32, #tpu.memory_space<hbm>> -> memref<1x128xi32, #tpu.memory_space<hbm>>
        %dma_wait3A_74 = tpu.memref_squeeze %dma_wait3A : memref<1x128xi32, #tpu.memory_space<hbm>> -> memref<128xi32, #tpu.memory_space<hbm>>
        %dma_wait3A_75 = tpu.memref_slice %arg2[%run_scoped3A_5, %mul3A_2] : memref<2x3200xi32, #tpu.memory_space<hbm>> -> memref<1x128xi32, #tpu.memory_space<hbm>>
        %dma_wait3A_76 = tpu.memref_squeeze %dma_wait3A_75 : memref<1x128xi32, #tpu.memory_space<hbm>> -> memref<128xi32, #tpu.memory_space<hbm>>
        tpu.wait_dma2 semaphore(%run_scoped3A_70 : memref<!tpu.dma_semaphore, #tpu.memory_space<semaphore_mem>>) src(%dma_wait3A_76 : memref<128xi32, #tpu.memory_space<hbm>>) dst(%arg6 : memref<128xi32, #tpu.memory_space<vmem>>)
        tpu.yield
      }) : () -> ()
      %broadcast_in_dim3A = arith.constant 1.000000e+00 : f32
      %broadcast_in_dim3A_6 = vector.broadcast %broadcast_in_dim3A : f32 to vector<16xf32>
      %get3A = arith.constant 0 : index
      %get3A_7 = tpu.vector_load %arg5[%get3A] {strides = array<i32>} : memref<128xi32, #tpu.memory_space<vmem>>, vector<16xi32>,
      %get3A_8 = arith.constant 0 : index
      %get3A_9 = tpu.vector_load %arg6[%get3A_8] {strides = array<i32>} : memref<128xi32, #tpu.memory_space<vmem>>, vector<16xi32>,
      %mul3A_10 = arith.constant 128 : i32
      %mul3A_11 = vector.broadcast %mul3A_10 : i32 to vector<16xi32>
      %mul3A_12 = arith.muli %get3A_7, %mul3A_11 : vector<16xi32>
      %add3A_13 = arith.addi %mul3A_12, %get3A_9 : vector<16xi32>
      tpu.vector_store_idx %arg7[%add3A_13], %broadcast_in_dim3A_6 {add = true} : memref<12800xf32, #tpu.memory_space<vmem>>[vector<16xi32>], vector<16xf32>,
      %get3A_14 = arith.constant 16 : index
      %get3A_15 = tpu.vector_load %arg5[%get3A_14] {strides = array<i32>} : memref<128xi32, #tpu.memory_space<vmem>>, vector<16xi32>,
      %get3A_16 = arith.constant 16 : index
      %get3A_17 = tpu.vector_load %arg6[%get3A_16] {strides = array<i32>} : memref<128xi32, #tpu.memory_space<vmem>>, vector<16xi32>,
      %mul3A_18 = arith.constant 128 : i32
      %mul3A_19 = vector.broadcast %mul3A_18 : i32 to vector<16xi32>
      %mul3A_20 = arith.muli %get3A_15, %mul3A_19 : vector<16xi32>
      %add3A_21 = arith.addi %mul3A_20, %get3A_17 : vector<16xi32>
      tpu.vector_store_idx %arg7[%add3A_21], %broadcast_in_dim3A_6 {add = true} : memref<12800xf32, #tpu.memory_space<vmem>>[vector<16xi32>], vector<16xf32>,
      %get3A_22 = arith.constant 32 : index
      %get3A_23 = tpu.vector_load %arg5[%get3A_22] {strides = array<i32>} : memref<128xi32, #tpu.memory_space<vmem>>, vector<16xi32>,
      %get3A_24 = arith.constant 32 : index
      %get3A_25 = tpu.vector_load %arg6[%get3A_24] {strides = array<i32>} : memref<128xi32, #tpu.memory_space<vmem>>, vector<16xi32>,
      %mul3A_26 = arith.constant 128 : i32
      %mul3A_27 = vector.broadcast %mul3A_26 : i32 to vector<16xi32>
      %mul3A_28 = arith.muli %get3A_23, %mul3A_27 : vector<16xi32>
      %add3A_29 = arith.addi %mul3A_28, %get3A_25 : vector<16xi32>
      tpu.vector_store_idx %arg7[%add3A_29], %broadcast_in_dim3A_6 {add = true} : memref<12800xf32, #tpu.memory_space<vmem>>[vector<16xi32>], vector<16xf32>,
      %get3A_30 = arith.constant 48 : index
      %get3A_31 = tpu.vector_load %arg5[%get3A_30] {strides = array<i32>} : memref<128xi32, #tpu.memory_space<vmem>>, vector<16xi32>,
      %get3A_32 = arith.constant 48 : index
      %get3A_33 = tpu.vector_load %arg6[%get3A_32] {strides = array<i32>} : memref<128xi32, #tpu.memory_space<vmem>>, vector<16xi32>,
      %mul3A_34 = arith.constant 128 : i32
      %mul3A_35 = vector.broadcast %mul3A_34 : i32 to vector<16xi32>
      %mul3A_36 = arith.muli %get3A_31, %mul3A_35 : vector<16xi32>
      %add3A_37 = arith.addi %mul3A_36, %get3A_33 : vector<16xi32>
      tpu.vector_store_idx %arg7[%add3A_37], %broadcast_in_dim3A_6 {add = true} : memref<12800xf32, #tpu.memory_space<vmem>>[vector<16xi32>], vector<16xf32>,
      %get3A_38 = arith.constant 64 : index
      %get3A_39 = tpu.vector_load %arg5[%get3A_38] {strides = array<i32>} : memref<128xi32, #tpu.memory_space<vmem>>, vector<16xi32>,
      %get3A_40 = arith.constant 64 : index
      %get3A_41 = tpu.vector_load %arg6[%get3A_40] {strides = array<i32>} : memref<128xi32, #tpu.memory_space<vmem>>, vector<16xi32>,
      %mul3A_42 = arith.constant 128 : i32
      %mul3A_43 = vector.broadcast %mul3A_42 : i32 to vector<16xi32>
      %mul3A_44 = arith.muli %get3A_39, %mul3A_43 : vector<16xi32>
      %add3A_45 = arith.addi %mul3A_44, %get3A_41 : vector<16xi32>
      tpu.vector_store_idx %arg7[%add3A_45], %broadcast_in_dim3A_6 {add = true} : memref<12800xf32, #tpu.memory_space<vmem>>[vector<16xi32>], vector<16xf32>,
      %get3A_46 = arith.constant 80 : index
      %get3A_47 = tpu.vector_load %arg5[%get3A_46] {strides = array<i32>} : memref<128xi32, #tpu.memory_space<vmem>>, vector<16xi32>,
      %get3A_48 = arith.constant 80 : index
      %get3A_49 = tpu.vector_load %arg6[%get3A_48] {strides = array<i32>} : memref<128xi32, #tpu.memory_space<vmem>>, vector<16xi32>,
      %mul3A_50 = arith.constant 128 : i32
      %mul3A_51 = vector.broadcast %mul3A_50 : i32 to vector<16xi32>
      %mul3A_52 = arith.muli %get3A_47, %mul3A_51 : vector<16xi32>
      %add3A_53 = arith.addi %mul3A_52, %get3A_49 : vector<16xi32>
      tpu.vector_store_idx %arg7[%add3A_53], %broadcast_in_dim3A_6 {add = true} : memref<12800xf32, #tpu.memory_space<vmem>>[vector<16xi32>], vector<16xf32>,
      %get3A_54 = arith.constant 96 : index
      %get3A_55 = tpu.vector_load %arg5[%get3A_54] {strides = array<i32>} : memref<128xi32, #tpu.memory_space<vmem>>, vector<16xi32>,
      %get3A_56 = arith.constant 96 : index
      %get3A_57 = tpu.vector_load %arg6[%get3A_56] {strides = array<i32>} : memref<128xi32, #tpu.memory_space<vmem>>, vector<16xi32>,
      %mul3A_58 = arith.constant 128 : i32
      %mul3A_59 = vector.broadcast %mul3A_58 : i32 to vector<16xi32>
      %mul3A_60 = arith.muli %get3A_55, %mul3A_59 : vector<16xi32>
      %add3A_61 = arith.addi %mul3A_60, %get3A_57 : vector<16xi32>
      tpu.vector_store_idx %arg7[%add3A_61], %broadcast_in_dim3A_6 {add = true} : memref<12800xf32, #tpu.memory_space<vmem>>[vector<16xi32>], vector<16xf32>,
      %get3A_62 = arith.constant 112 : index
      %get3A_63 = tpu.vector_load %arg5[%get3A_62] {strides = array<i32>} : memref<128xi32, #tpu.memory_space<vmem>>, vector<16xi32>,
      %get3A_64 = arith.constant 112 : index
      %get3A_65 = tpu.vector_load %arg6[%get3A_64] {strides = array<i32>} : memref<128xi32, #tpu.memory_space<vmem>>, vector<16xi32>,
      %mul3A_66 = arith.constant 128 : i32
      %mul3A_67 = vector.broadcast %mul3A_66 : i32 to vector<16xi32>
      %mul3A_68 = arith.muli %get3A_63, %mul3A_67 : vector<16xi32>
      %add3A_69 = arith.addi %mul3A_68, %get3A_65 : vector<16xi32>
      tpu.vector_store_idx %arg7[%add3A_69], %broadcast_in_dim3A_6 {add = true} : memref<12800xf32, #tpu.memory_space<vmem>>[vector<16xi32>], vector<16xf32>,
    } else {
    }
    "tpu.region"() ({
      %run_scoped3A = tpu.sem_alloc : memref<!tpu.dma_semaphore, #tpu.memory_space<semaphore_mem>>
      %dma_start3A = arith.constant 0 : i32
      %dma_start3A_5 = tpu.memref_slice %arg4[%add3A, %dma_start3A] : memref<32x12800xf32, #tpu.memory_space<hbm>> -> memref<1x12800xf32, #tpu.memory_space<hbm>>
      %dma_start3A_6 = tpu.memref_squeeze %dma_start3A_5 : memref<1x12800xf32, #tpu.memory_space<hbm>> -> memref<12800xf32, #tpu.memory_space<hbm>>
      %dma_start3A_7 = arith.constant 0 : i32
      %dma_start3A_8 = tpu.memref_slice %arg4[%add3A, %dma_start3A_7] : memref<32x12800xf32, #tpu.memory_space<hbm>> -> memref<1x12800xf32, #tpu.memory_space<hbm>>
      %dma_start3A_9 = tpu.memref_squeeze %dma_start3A_8 : memref<1x12800xf32, #tpu.memory_space<hbm>> -> memref<12800xf32, #tpu.memory_space<hbm>>
      tpu.enqueue_dma source(%arg7 : memref<12800xf32, #tpu.memory_space<vmem>>) target(%dma_start3A_9 : memref<12800xf32, #tpu.memory_space<hbm>>) target_semaphore(%run_scoped3A : memref<!tpu.dma_semaphore, #tpu.memory_space<semaphore_mem>>)
      %dma_wait3A = arith.constant 0 : i32
      %dma_wait3A_10 = tpu.memref_slice %arg4[%add3A, %dma_wait3A] : memref<32x12800xf32, #tpu.memory_space<hbm>> -> memref<1x12800xf32, #tpu.memory_space<hbm>>
      %dma_wait3A_11 = tpu.memref_squeeze %dma_wait3A_10 : memref<1x12800xf32, #tpu.memory_space<hbm>> -> memref<12800xf32, #tpu.memory_space<hbm>>
      %dma_wait3A_12 = arith.constant 0 : i32
      %dma_wait3A_13 = tpu.memref_slice %arg4[%add3A, %dma_wait3A_12] : memref<32x12800xf32, #tpu.memory_space<hbm>> -> memref<1x12800xf32, #tpu.memory_space<hbm>>
      %dma_wait3A_14 = tpu.memref_squeeze %dma_wait3A_13 : memref<1x12800xf32, #tpu.memory_space<hbm>> -> memref<12800xf32, #tpu.memory_space<hbm>>
      tpu.wait_dma2 semaphore(%run_scoped3A : memref<!tpu.dma_semaphore, #tpu.memory_space<semaphore_mem>>) src(%arg7 : memref<12800xf32, #tpu.memory_space<vmem>>) dst(%dma_wait3A_14 : memref<12800xf32, #tpu.memory_space<hbm>>)
      tpu.yield
    }) : () -> ()
    return
  }
}

module attributes {stable_mosaic.version = 14 : i64} {
  func.func @_gru_body(%arg0: i32, %arg1: memref<128x100x128xf32, #tpu.memory_space<vmem>>, %arg2: memref<128x768xf32, #tpu.memory_space<vmem>>, %arg3: memref<256x768xf32, #tpu.memory_space<vmem>>, %arg4: memref<1x768xf32, #tpu.memory_space<vmem>>, %arg5: memref<1x768xf32, #tpu.memory_space<vmem>>, %arg6: memref<100x256xf32, #tpu.memory_space<vmem>>, %arg7: memref<128x100x128xbf16, #tpu.memory_space<vmem>>) attributes {dimension_semantics = [#tpu.dimension_semantics<arbitrary>], iteration_bounds = array<i64: 4>, scalar_prefetch = 0 : i64, scratch_operands = 1 : i64, tpu.core_type = #tpu.core_type<tc>, window_params = [{transform_indices = @transform_0, window_bounds = array<i64: 128, 100, 128>}, {pipeline_mode = #tpu.pipeline_mode<synchronous>, transform_indices = @transform_1, window_bounds = array<i64: 128, 768>}, {pipeline_mode = #tpu.pipeline_mode<synchronous>, transform_indices = @transform_2, window_bounds = array<i64: 256, 768>}, {pipeline_mode = #tpu.pipeline_mode<synchronous>, transform_indices = @transform_3, window_bounds = array<i64: 1, 768>}, {pipeline_mode = #tpu.pipeline_mode<synchronous>, transform_indices = @transform_4, window_bounds = array<i64: 1, 768>}, {pipeline_mode = #tpu.pipeline_mode<synchronous>, transform_indices = @transform_5, window_bounds = array<i64: 100, 256>}]} {
    %eq3A = arith.constant 0 : i32
    %eq3A_0 = arith.cmpi eq, %arg0, %eq3A : i32
    %convert_element_type3A = arith.extui %eq3A_0 : i1 to i32
    %cond3A = arith.constant 0 : i32
    %cond3A_1 = arith.cmpi ne, %convert_element_type3A, %cond3A : i32
    scf.if %cond3A_1 {
      %broadcast_in_dim3A = arith.constant 0.000000e+00 : f32
      %broadcast_in_dim3A_35 = vector.broadcast %broadcast_in_dim3A : f32 to vector<100x256xf32>
      %swap3A_36 = arith.constant 0 : index
      %swap3A_37 = arith.constant 0 : index
      %swap3A_38 = vector.load %arg6[%swap3A_36, %swap3A_37] : memref<100x256xf32, #tpu.memory_space<vmem>>, vector<100x256xf32>
      tpu.vector_store %arg6[%swap3A_36, %swap3A_37], %broadcast_in_dim3A_35 {strides = array<i32>} : memref<100x256xf32, #tpu.memory_space<vmem>>, vector<100x256xf32>,
    } else {
    }
    %get3A = arith.constant 0 : index
    %get3A_2 = arith.constant 0 : index
    %get3A_3 = arith.constant 0 : index
    %get3A_4 = vector.load %arg1[%get3A, %get3A_2, %get3A_3] : memref<128x100x128xf32, #tpu.memory_space<vmem>>, vector<128x100x128xf32>
    %convert_element_type3A_5 = arith.truncf %get3A_4 : vector<128x100x128xf32> to vector<128x100x128xbf16>
    %swap3A = arith.constant 0 : index
    %swap3A_6 = arith.constant 0 : index
    %swap3A_7 = arith.constant 0 : index
    %swap3A_8 = vector.load %arg7[%swap3A, %swap3A_6, %swap3A_7] : memref<128x100x128xbf16, #tpu.memory_space<vmem>>, vector<128x100x128xbf16>
    tpu.vector_store %arg7[%swap3A, %swap3A_6, %swap3A_7], %convert_element_type3A_5 {strides = array<i32>} : memref<128x100x128xbf16, #tpu.memory_space<vmem>>, vector<128x100x128xbf16>,
    %get3A_9 = arith.constant 0 : index
    %get3A_10 = arith.constant 0 : index
    %get3A_11 = vector.load %arg2[%get3A_9, %get3A_10] : memref<128x768xf32, #tpu.memory_space<vmem>>, vector<128x768xf32>
    %convert_element_type3A_12 = arith.truncf %get3A_11 : vector<128x768xf32> to vector<128x768xbf16>
    %get3A_13 = arith.constant 0 : index
    %get3A_14 = arith.constant 0 : index
    %get3A_15 = vector.load %arg3[%get3A_13, %get3A_14] : memref<256x768xf32, #tpu.memory_space<vmem>>, vector<256x768xf32>
    %convert_element_type3A_16 = arith.truncf %get3A_15 : vector<256x768xf32> to vector<256x768xbf16>
    %get3A_17 = arith.constant 0 : index
    %get3A_18 = arith.constant 0 : index
    %get3A_19 = vector.load %arg4[%get3A_17, %get3A_18] : memref<1x768xf32, #tpu.memory_space<vmem>>, vector<1x768xf32>
    %get3A_20 = arith.constant 0 : index
    %get3A_21 = arith.constant 0 : index
    %get3A_22 = vector.load %arg5[%get3A_20, %get3A_21] : memref<1x768xf32, #tpu.memory_space<vmem>>, vector<1x768xf32>
    %add3A = arith.addf %get3A_19, %get3A_22 : vector<1x768xf32>
    %get3A_23 = arith.constant 0 : index
    %get3A_24 = arith.constant 0 : index
    %get3A_25 = vector.load %arg6[%get3A_23, %get3A_24] : memref<100x256xf32, #tpu.memory_space<vmem>>, vector<100x256xf32>
    %convert_element_type3A_26 = arith.truncf %get3A_25 : vector<100x256xf32> to vector<100x256xbf16>
    %scan3A = arith.constant 0 : i32
    %scan3A_27 = arith.constant 128 : i32
    %scan3A_28 = arith.addi %scan3A, %scan3A_27 : i32
    %scan3A_29 = arith.constant 4 : i32
    %scan3A_30:2 = scf.for %scan3A_35 = %scan3A to %scan3A_28 step %scan3A_29 iter_args(%scan3A_36 = %get3A_25, %scan3A_37 = %convert_element_type3A_26) -> (vector<100x256xf32>, vector<100x256xbf16>)  : i32 {
      %get3A_38 = arith.index_cast %scan3A_35 : i32 to index
      %get3A_39 = arith.constant 0 : index
      %get3A_40 = arith.constant 0 : index
      %get3A_41 = vector.load %arg7[%get3A_38, %get3A_39, %get3A_40] : memref<128x100x128xbf16, #tpu.memory_space<vmem>>, vector<1x100x128xbf16>
      %get3A_42 = vector.shape_cast %get3A_41 : vector<1x100x128xbf16> to vector<100x128xbf16>
      %dot_general3A = arith.constant dense<0.000000e+00> : vector<100x768xf32>
      %dot_general3A_43 = tpu.matmul %get3A_42, %convert_element_type3A_12, %dot_general3A {dimension_numbers = #tpu.dot_dimension_numbers<[1], [0], [0], [1], [0, 0, 1, 1], [], []>, transpose_lhs_hint = false} : vector<100x128xbf16>, vector<128x768xbf16>, vector<100x768xf32> -> vector<100x768xf32>
      %dot_general3A_44 = arith.constant dense<0.000000e+00> : vector<100x768xf32>
      %dot_general3A_45 = tpu.matmul %scan3A_37, %convert_element_type3A_16, %dot_general3A_44 {dimension_numbers = #tpu.dot_dimension_numbers<[1], [0], [0], [1], [0, 0, 1, 1], [], []>, transpose_lhs_hint = false} : vector<100x256xbf16>, vector<256x768xbf16>, vector<100x768xf32> -> vector<100x768xf32>
      %slice3A = vector.extract_strided_slice %dot_general3A_43 {offsets = [0, 0], sizes = [100, 512], strides = [1, 1]} : vector<100x768xf32> to vector<100x512xf32>
      %slice3A_46 = vector.extract_strided_slice %dot_general3A_45 {offsets = [0, 0], sizes = [100, 512], strides = [1, 1]} : vector<100x768xf32> to vector<100x512xf32>
      %add3A_47 = arith.addf %slice3A, %slice3A_46 : vector<100x512xf32>
      %slice3A_48 = vector.extract_strided_slice %add3A {offsets = [0, 0], sizes = [1, 512], strides = [1, 1]} : vector<1x768xf32> to vector<1x512xf32>
      %add3A_49 = vector.broadcast %slice3A_48 : vector<1x512xf32> to vector<100x512xf32>
      %add3A_50 = arith.addf %add3A_47, %add3A_49 : vector<100x512xf32>
      %mul3A = arith.constant 5.000000e-01 : f32
      %mul3A_51 = vector.broadcast %mul3A : f32 to vector<100x512xf32>
      %mul3A_52 = arith.mulf %add3A_50, %mul3A_51 : vector<100x512xf32>
      %tanh3A = math.tanh %mul3A_52 : vector<100x512xf32>
      %mul3A_53 = arith.constant 5.000000e-01 : f32
      %mul3A_54 = vector.broadcast %mul3A_53 : f32 to vector<100x512xf32>
      %mul3A_55 = arith.mulf %tanh3A, %mul3A_54 : vector<100x512xf32>
      %add3A_56 = arith.constant 5.000000e-01 : f32
      %add3A_57 = vector.broadcast %add3A_56 : f32 to vector<100x512xf32>
      %add3A_58 = arith.addf %mul3A_55, %add3A_57 : vector<100x512xf32>
      %slice3A_59 = vector.extract_strided_slice %add3A_58 {offsets = [0, 0], sizes = [100, 256], strides = [1, 1]} : vector<100x512xf32> to vector<100x256xf32>
      %slice3A_60 = vector.extract_strided_slice %add3A_58 {offsets = [0, 256], sizes = [100, 256], strides = [1, 1]} : vector<100x512xf32> to vector<100x256xf32>
      %slice3A_61 = vector.extract_strided_slice %dot_general3A_43 {offsets = [0, 512], sizes = [100, 256], strides = [1, 1]} : vector<100x768xf32> to vector<100x256xf32>
      %slice3A_62 = vector.extract_strided_slice %get3A_19 {offsets = [0, 512], sizes = [1, 256], strides = [1, 1]} : vector<1x768xf32> to vector<1x256xf32>
      %add3A_63 = vector.broadcast %slice3A_62 : vector<1x256xf32> to vector<100x256xf32>
      %add3A_64 = arith.addf %slice3A_61, %add3A_63 : vector<100x256xf32>
      %slice3A_65 = vector.extract_strided_slice %dot_general3A_45 {offsets = [0, 512], sizes = [100, 256], strides = [1, 1]} : vector<100x768xf32> to vector<100x256xf32>
      %slice3A_66 = vector.extract_strided_slice %get3A_22 {offsets = [0, 512], sizes = [1, 256], strides = [1, 1]} : vector<1x768xf32> to vector<1x256xf32>
      %add3A_67 = vector.broadcast %slice3A_66 : vector<1x256xf32> to vector<100x256xf32>
      %add3A_68 = arith.addf %slice3A_65, %add3A_67 : vector<100x256xf32>
      %mul3A_69 = arith.mulf %slice3A_59, %add3A_68 : vector<100x256xf32>
      %add3A_70 = arith.addf %add3A_64, %mul3A_69 : vector<100x256xf32>
      %tanh3A_71 = math.tanh %add3A_70 : vector<100x256xf32>
      %sub3A = arith.subf %scan3A_36, %tanh3A_71 : vector<100x256xf32>
      %mul3A_72 = arith.mulf %slice3A_60, %sub3A : vector<100x256xf32>
      %add3A_73 = arith.addf %tanh3A_71, %mul3A_72 : vector<100x256xf32>
      %convert_element_type3A_74 = arith.truncf %add3A_73 : vector<100x256xf32> to vector<100x256xbf16>
      %scan3A_75 = arith.constant 1 : i32
      %scan3A_76 = arith.addi %scan3A_35, %scan3A_75 : i32
      %get3A_77 = arith.index_cast %scan3A_76 : i32 to index
      %get3A_78 = arith.constant 0 : index
      %get3A_79 = arith.constant 0 : index
      %get3A_80 = vector.load %arg7[%get3A_77, %get3A_78, %get3A_79] : memref<128x100x128xbf16, #tpu.memory_space<vmem>>, vector<1x100x128xbf16>
      %get3A_81 = vector.shape_cast %get3A_80 : vector<1x100x128xbf16> to vector<100x128xbf16>
      %dot_general3A_82 = arith.constant dense<0.000000e+00> : vector<100x768xf32>
      %dot_general3A_83 = tpu.matmul %get3A_81, %convert_element_type3A_12, %dot_general3A_82 {dimension_numbers = #tpu.dot_dimension_numbers<[1], [0], [0], [1], [0, 0, 1, 1], [], []>, transpose_lhs_hint = false} : vector<100x128xbf16>, vector<128x768xbf16>, vector<100x768xf32> -> vector<100x768xf32>
      %dot_general3A_84 = arith.constant dense<0.000000e+00> : vector<100x768xf32>
      %dot_general3A_85 = tpu.matmul %convert_element_type3A_74, %convert_element_type3A_16, %dot_general3A_84 {dimension_numbers = #tpu.dot_dimension_numbers<[1], [0], [0], [1], [0, 0, 1, 1], [], []>, transpose_lhs_hint = false} : vector<100x256xbf16>, vector<256x768xbf16>, vector<100x768xf32> -> vector<100x768xf32>
      %slice3A_86 = vector.extract_strided_slice %dot_general3A_83 {offsets = [0, 0], sizes = [100, 512], strides = [1, 1]} : vector<100x768xf32> to vector<100x512xf32>
      %slice3A_87 = vector.extract_strided_slice %dot_general3A_85 {offsets = [0, 0], sizes = [100, 512], strides = [1, 1]} : vector<100x768xf32> to vector<100x512xf32>
      %add3A_88 = arith.addf %slice3A_86, %slice3A_87 : vector<100x512xf32>
      %slice3A_89 = vector.extract_strided_slice %add3A {offsets = [0, 0], sizes = [1, 512], strides = [1, 1]} : vector<1x768xf32> to vector<1x512xf32>
      %add3A_90 = vector.broadcast %slice3A_89 : vector<1x512xf32> to vector<100x512xf32>
      %add3A_91 = arith.addf %add3A_88, %add3A_90 : vector<100x512xf32>
      %mul3A_92 = arith.constant 5.000000e-01 : f32
      %mul3A_93 = vector.broadcast %mul3A_92 : f32 to vector<100x512xf32>
      %mul3A_94 = arith.mulf %add3A_91, %mul3A_93 : vector<100x512xf32>
      %tanh3A_95 = math.tanh %mul3A_94 : vector<100x512xf32>
      %mul3A_96 = arith.constant 5.000000e-01 : f32
      %mul3A_97 = vector.broadcast %mul3A_96 : f32 to vector<100x512xf32>
      %mul3A_98 = arith.mulf %tanh3A_95, %mul3A_97 : vector<100x512xf32>
      %add3A_99 = arith.constant 5.000000e-01 : f32
      %add3A_100 = vector.broadcast %add3A_99 : f32 to vector<100x512xf32>
      %add3A_101 = arith.addf %mul3A_98, %add3A_100 : vector<100x512xf32>
      %slice3A_102 = vector.extract_strided_slice %add3A_101 {offsets = [0, 0], sizes = [100, 256], strides = [1, 1]} : vector<100x512xf32> to vector<100x256xf32>
      %slice3A_103 = vector.extract_strided_slice %add3A_101 {offsets = [0, 256], sizes = [100, 256], strides = [1, 1]} : vector<100x512xf32> to vector<100x256xf32>
      %slice3A_104 = vector.extract_strided_slice %dot_general3A_83 {offsets = [0, 512], sizes = [100, 256], strides = [1, 1]} : vector<100x768xf32> to vector<100x256xf32>
      %slice3A_105 = vector.extract_strided_slice %get3A_19 {offsets = [0, 512], sizes = [1, 256], strides = [1, 1]} : vector<1x768xf32> to vector<1x256xf32>
      %add3A_106 = vector.broadcast %slice3A_105 : vector<1x256xf32> to vector<100x256xf32>
      %add3A_107 = arith.addf %slice3A_104, %add3A_106 : vector<100x256xf32>
      %slice3A_108 = vector.extract_strided_slice %dot_general3A_85 {offsets = [0, 512], sizes = [100, 256], strides = [1, 1]} : vector<100x768xf32> to vector<100x256xf32>
      %slice3A_109 = vector.extract_strided_slice %get3A_22 {offsets = [0, 512], sizes = [1, 256], strides = [1, 1]} : vector<1x768xf32> to vector<1x256xf32>
      %add3A_110 = vector.broadcast %slice3A_109 : vector<1x256xf32> to vector<100x256xf32>
      %add3A_111 = arith.addf %slice3A_108, %add3A_110 : vector<100x256xf32>
      %mul3A_112 = arith.mulf %slice3A_102, %add3A_111 : vector<100x256xf32>
      %add3A_113 = arith.addf %add3A_107, %mul3A_112 : vector<100x256xf32>
      %tanh3A_114 = math.tanh %add3A_113 : vector<100x256xf32>
      %sub3A_115 = arith.subf %add3A_73, %tanh3A_114 : vector<100x256xf32>
      %mul3A_116 = arith.mulf %slice3A_103, %sub3A_115 : vector<100x256xf32>
      %add3A_117 = arith.addf %tanh3A_114, %mul3A_116 : vector<100x256xf32>
      %convert_element_type3A_118 = arith.truncf %add3A_117 : vector<100x256xf32> to vector<100x256xbf16>
      %scan3A_119 = arith.constant 2 : i32
      %scan3A_120 = arith.addi %scan3A_35, %scan3A_119 : i32
      %get3A_121 = arith.index_cast %scan3A_120 : i32 to index
      %get3A_122 = arith.constant 0 : index
      %get3A_123 = arith.constant 0 : index
      %get3A_124 = vector.load %arg7[%get3A_121, %get3A_122, %get3A_123] : memref<128x100x128xbf16, #tpu.memory_space<vmem>>, vector<1x100x128xbf16>
      %get3A_125 = vector.shape_cast %get3A_124 : vector<1x100x128xbf16> to vector<100x128xbf16>
      %dot_general3A_126 = arith.constant dense<0.000000e+00> : vector<100x768xf32>
      %dot_general3A_127 = tpu.matmul %get3A_125, %convert_element_type3A_12, %dot_general3A_126 {dimension_numbers = #tpu.dot_dimension_numbers<[1], [0], [0], [1], [0, 0, 1, 1], [], []>, transpose_lhs_hint = false} : vector<100x128xbf16>, vector<128x768xbf16>, vector<100x768xf32> -> vector<100x768xf32>
      %dot_general3A_128 = arith.constant dense<0.000000e+00> : vector<100x768xf32>
      %dot_general3A_129 = tpu.matmul %convert_element_type3A_118, %convert_element_type3A_16, %dot_general3A_128 {dimension_numbers = #tpu.dot_dimension_numbers<[1], [0], [0], [1], [0, 0, 1, 1], [], []>, transpose_lhs_hint = false} : vector<100x256xbf16>, vector<256x768xbf16>, vector<100x768xf32> -> vector<100x768xf32>
      %slice3A_130 = vector.extract_strided_slice %dot_general3A_127 {offsets = [0, 0], sizes = [100, 512], strides = [1, 1]} : vector<100x768xf32> to vector<100x512xf32>
      %slice3A_131 = vector.extract_strided_slice %dot_general3A_129 {offsets = [0, 0], sizes = [100, 512], strides = [1, 1]} : vector<100x768xf32> to vector<100x512xf32>
      %add3A_132 = arith.addf %slice3A_130, %slice3A_131 : vector<100x512xf32>
      %slice3A_133 = vector.extract_strided_slice %add3A {offsets = [0, 0], sizes = [1, 512], strides = [1, 1]} : vector<1x768xf32> to vector<1x512xf32>
      %add3A_134 = vector.broadcast %slice3A_133 : vector<1x512xf32> to vector<100x512xf32>
      %add3A_135 = arith.addf %add3A_132, %add3A_134 : vector<100x512xf32>
      %mul3A_136 = arith.constant 5.000000e-01 : f32
      %mul3A_137 = vector.broadcast %mul3A_136 : f32 to vector<100x512xf32>
      %mul3A_138 = arith.mulf %add3A_135, %mul3A_137 : vector<100x512xf32>
      %tanh3A_139 = math.tanh %mul3A_138 : vector<100x512xf32>
      %mul3A_140 = arith.constant 5.000000e-01 : f32
      %mul3A_141 = vector.broadcast %mul3A_140 : f32 to vector<100x512xf32>
      %mul3A_142 = arith.mulf %tanh3A_139, %mul3A_141 : vector<100x512xf32>
      %add3A_143 = arith.constant 5.000000e-01 : f32
      %add3A_144 = vector.broadcast %add3A_143 : f32 to vector<100x512xf32>
      %add3A_145 = arith.addf %mul3A_142, %add3A_144 : vector<100x512xf32>
      %slice3A_146 = vector.extract_strided_slice %add3A_145 {offsets = [0, 0], sizes = [100, 256], strides = [1, 1]} : vector<100x512xf32> to vector<100x256xf32>
      %slice3A_147 = vector.extract_strided_slice %add3A_145 {offsets = [0, 256], sizes = [100, 256], strides = [1, 1]} : vector<100x512xf32> to vector<100x256xf32>
      %slice3A_148 = vector.extract_strided_slice %dot_general3A_127 {offsets = [0, 512], sizes = [100, 256], strides = [1, 1]} : vector<100x768xf32> to vector<100x256xf32>
      %slice3A_149 = vector.extract_strided_slice %get3A_19 {offsets = [0, 512], sizes = [1, 256], strides = [1, 1]} : vector<1x768xf32> to vector<1x256xf32>
      %add3A_150 = vector.broadcast %slice3A_149 : vector<1x256xf32> to vector<100x256xf32>
      %add3A_151 = arith.addf %slice3A_148, %add3A_150 : vector<100x256xf32>
      %slice3A_152 = vector.extract_strided_slice %dot_general3A_129 {offsets = [0, 512], sizes = [100, 256], strides = [1, 1]} : vector<100x768xf32> to vector<100x256xf32>
      %slice3A_153 = vector.extract_strided_slice %get3A_22 {offsets = [0, 512], sizes = [1, 256], strides = [1, 1]} : vector<1x768xf32> to vector<1x256xf32>
      %add3A_154 = vector.broadcast %slice3A_153 : vector<1x256xf32> to vector<100x256xf32>
      %add3A_155 = arith.addf %slice3A_152, %add3A_154 : vector<100x256xf32>
      %mul3A_156 = arith.mulf %slice3A_146, %add3A_155 : vector<100x256xf32>
      %add3A_157 = arith.addf %add3A_151, %mul3A_156 : vector<100x256xf32>
      %tanh3A_158 = math.tanh %add3A_157 : vector<100x256xf32>
      %sub3A_159 = arith.subf %add3A_117, %tanh3A_158 : vector<100x256xf32>
      %mul3A_160 = arith.mulf %slice3A_147, %sub3A_159 : vector<100x256xf32>
      %add3A_161 = arith.addf %tanh3A_158, %mul3A_160 : vector<100x256xf32>
      %convert_element_type3A_162 = arith.truncf %add3A_161 : vector<100x256xf32> to vector<100x256xbf16>
      %scan3A_163 = arith.constant 3 : i32
      %scan3A_164 = arith.addi %scan3A_35, %scan3A_163 : i32
      %get3A_165 = arith.index_cast %scan3A_164 : i32 to index
      %get3A_166 = arith.constant 0 : index
      %get3A_167 = arith.constant 0 : index
      %get3A_168 = vector.load %arg7[%get3A_165, %get3A_166, %get3A_167] : memref<128x100x128xbf16, #tpu.memory_space<vmem>>, vector<1x100x128xbf16>
      %get3A_169 = vector.shape_cast %get3A_168 : vector<1x100x128xbf16> to vector<100x128xbf16>
      %dot_general3A_170 = arith.constant dense<0.000000e+00> : vector<100x768xf32>
      %dot_general3A_171 = tpu.matmul %get3A_169, %convert_element_type3A_12, %dot_general3A_170 {dimension_numbers = #tpu.dot_dimension_numbers<[1], [0], [0], [1], [0, 0, 1, 1], [], []>, transpose_lhs_hint = false} : vector<100x128xbf16>, vector<128x768xbf16>, vector<100x768xf32> -> vector<100x768xf32>
      %dot_general3A_172 = arith.constant dense<0.000000e+00> : vector<100x768xf32>
      %dot_general3A_173 = tpu.matmul %convert_element_type3A_162, %convert_element_type3A_16, %dot_general3A_172 {dimension_numbers = #tpu.dot_dimension_numbers<[1], [0], [0], [1], [0, 0, 1, 1], [], []>, transpose_lhs_hint = false} : vector<100x256xbf16>, vector<256x768xbf16>, vector<100x768xf32> -> vector<100x768xf32>
      %slice3A_174 = vector.extract_strided_slice %dot_general3A_171 {offsets = [0, 0], sizes = [100, 512], strides = [1, 1]} : vector<100x768xf32> to vector<100x512xf32>
      %slice3A_175 = vector.extract_strided_slice %dot_general3A_173 {offsets = [0, 0], sizes = [100, 512], strides = [1, 1]} : vector<100x768xf32> to vector<100x512xf32>
      %add3A_176 = arith.addf %slice3A_174, %slice3A_175 : vector<100x512xf32>
      %slice3A_177 = vector.extract_strided_slice %add3A {offsets = [0, 0], sizes = [1, 512], strides = [1, 1]} : vector<1x768xf32> to vector<1x512xf32>
      %add3A_178 = vector.broadcast %slice3A_177 : vector<1x512xf32> to vector<100x512xf32>
      %add3A_179 = arith.addf %add3A_176, %add3A_178 : vector<100x512xf32>
      %mul3A_180 = arith.constant 5.000000e-01 : f32
      %mul3A_181 = vector.broadcast %mul3A_180 : f32 to vector<100x512xf32>
      %mul3A_182 = arith.mulf %add3A_179, %mul3A_181 : vector<100x512xf32>
      %tanh3A_183 = math.tanh %mul3A_182 : vector<100x512xf32>
      %mul3A_184 = arith.constant 5.000000e-01 : f32
      %mul3A_185 = vector.broadcast %mul3A_184 : f32 to vector<100x512xf32>
      %mul3A_186 = arith.mulf %tanh3A_183, %mul3A_185 : vector<100x512xf32>
      %add3A_187 = arith.constant 5.000000e-01 : f32
      %add3A_188 = vector.broadcast %add3A_187 : f32 to vector<100x512xf32>
      %add3A_189 = arith.addf %mul3A_186, %add3A_188 : vector<100x512xf32>
      %slice3A_190 = vector.extract_strided_slice %add3A_189 {offsets = [0, 0], sizes = [100, 256], strides = [1, 1]} : vector<100x512xf32> to vector<100x256xf32>
      %slice3A_191 = vector.extract_strided_slice %add3A_189 {offsets = [0, 256], sizes = [100, 256], strides = [1, 1]} : vector<100x512xf32> to vector<100x256xf32>
      %slice3A_192 = vector.extract_strided_slice %dot_general3A_171 {offsets = [0, 512], sizes = [100, 256], strides = [1, 1]} : vector<100x768xf32> to vector<100x256xf32>
      %slice3A_193 = vector.extract_strided_slice %get3A_19 {offsets = [0, 512], sizes = [1, 256], strides = [1, 1]} : vector<1x768xf32> to vector<1x256xf32>
      %add3A_194 = vector.broadcast %slice3A_193 : vector<1x256xf32> to vector<100x256xf32>
      %add3A_195 = arith.addf %slice3A_192, %add3A_194 : vector<100x256xf32>
      %slice3A_196 = vector.extract_strided_slice %dot_general3A_173 {offsets = [0, 512], sizes = [100, 256], strides = [1, 1]} : vector<100x768xf32> to vector<100x256xf32>
      %slice3A_197 = vector.extract_strided_slice %get3A_22 {offsets = [0, 512], sizes = [1, 256], strides = [1, 1]} : vector<1x768xf32> to vector<1x256xf32>
      %add3A_198 = vector.broadcast %slice3A_197 : vector<1x256xf32> to vector<100x256xf32>
      %add3A_199 = arith.addf %slice3A_196, %add3A_198 : vector<100x256xf32>
      %mul3A_200 = arith.mulf %slice3A_190, %add3A_199 : vector<100x256xf32>
      %add3A_201 = arith.addf %add3A_195, %mul3A_200 : vector<100x256xf32>
      %tanh3A_202 = math.tanh %add3A_201 : vector<100x256xf32>
      %sub3A_203 = arith.subf %add3A_161, %tanh3A_202 : vector<100x256xf32>
      %mul3A_204 = arith.mulf %slice3A_191, %sub3A_203 : vector<100x256xf32>
      %add3A_205 = arith.addf %tanh3A_202, %mul3A_204 : vector<100x256xf32>
      %convert_element_type3A_206 = arith.truncf %add3A_205 : vector<100x256xf32> to vector<100x256xbf16>
      scf.yield %add3A_205, %convert_element_type3A_206 : vector<100x256xf32>, vector<100x256xbf16>
    }
    %scan3A_31 = arith.constant 128 : i32
    %swap3A_32 = arith.constant 0 : index
    %swap3A_33 = arith.constant 0 : index
    %swap3A_34 = vector.load %arg6[%swap3A_32, %swap3A_33] : memref<100x256xf32, #tpu.memory_space<vmem>>, vector<100x256xf32>
    tpu.vector_store %arg6[%swap3A_32, %swap3A_33], %scan3A_30#0 {strides = array<i32>} : memref<100x256xf32, #tpu.memory_space<vmem>>, vector<100x256xf32>,
    return
  }
  func.func @transform_0(%arg0: i32) -> (i32, i32, i32) {
    %c0_i32 = arith.constant 0 : i32
    %c0_i32_0 = arith.constant 0 : i32
    %c0_i32_1 = arith.constant 0 : i32
    return %arg0, %c0_i32, %c0_i32_0 : i32, i32, i32
  }
  func.func @transform_1(%arg0: i32) -> (i32, i32) {
    %c0_i32 = arith.constant 0 : i32
    %c0_i32_0 = arith.constant 0 : i32
    %c0_i32_1 = arith.constant 0 : i32
    return %c0_i32, %c0_i32_0 : i32, i32
  }
  func.func @transform_2(%arg0: i32) -> (i32, i32) {
    %c0_i32 = arith.constant 0 : i32
    %c0_i32_0 = arith.constant 0 : i32
    %c0_i32_1 = arith.constant 0 : i32
    return %c0_i32, %c0_i32_0 : i32, i32
  }
  func.func @transform_3(%arg0: i32) -> (i32, i32) {
    %c0_i32 = arith.constant 0 : i32
    %c0_i32_0 = arith.constant 0 : i32
    %c0_i32_1 = arith.constant 0 : i32
    return %c0_i32, %c0_i32_0 : i32, i32
  }
  func.func @transform_4(%arg0: i32) -> (i32, i32) {
    %c0_i32 = arith.constant 0 : i32
    %c0_i32_0 = arith.constant 0 : i32
    %c0_i32_1 = arith.constant 0 : i32
    return %c0_i32, %c0_i32_0 : i32, i32
  }
  func.func @transform_5(%arg0: i32) -> (i32, i32) {
    %c0_i32 = arith.constant 0 : i32
    %c0_i32_0 = arith.constant 0 : i32
    %c0_i32_1 = arith.constant 0 : i32
    return %c0_i32, %c0_i32_0 : i32, i32
  }
}

module attributes {stable_mosaic.version = 14 : i64} {
  func.func @_gnn_body(%arg0: memref<32x100x128xf32, #tpu.memory_space<vmem>>, %arg1: memref<100x256xf32, #tpu.memory_space<vmem>>, %arg2: memref<100x64xf32, #tpu.memory_space<vmem>>, %arg3: memref<100x32xf32, #tpu.memory_space<vmem>>, %arg4: memref<32x32xf32, #tpu.memory_space<vmem>>, %arg5: memref<1x32xf32, #tpu.memory_space<vmem>>, %arg6: memref<352x256xf32, #tpu.memory_space<vmem>>, %arg7: memref<1x256xf32, #tpu.memory_space<vmem>>, %arg8: memref<352x256xf32, #tpu.memory_space<vmem>>, %arg9: memref<256x128xf32, #tpu.memory_space<vmem>>, %arg10: memref<1x128xf32, #tpu.memory_space<vmem>>, %arg11: memref<256x128xf32, #tpu.memory_space<vmem>>, %arg12: memref<1x384xf32, #tpu.memory_space<vmem>>, %arg13: memref<1x1xf32, #tpu.memory_space<vmem>>, %arg14: memref<100x1xf32, #tpu.memory_space<vmem>>) attributes {dimension_semantics = [], scalar_prefetch = 0 : i64, scratch_operands = 0 : i64, tpu.core_type = #tpu.core_type<tc>} {
    %get3A = arith.constant 0 : index
    %get3A_0 = arith.constant 0 : index
    %get3A_1 = vector.load %arg6[%get3A, %get3A_0] : memref<352x256xf32, #tpu.memory_space<vmem>>, vector<352x256xf32>
    %get3A_2 = arith.constant 0 : index
    %get3A_3 = arith.constant 0 : index
    %get3A_4 = vector.load %arg8[%get3A_2, %get3A_3] : memref<352x256xf32, #tpu.memory_space<vmem>>, vector<352x256xf32>
    %slice3A = vector.extract_strided_slice %get3A_1 {offsets = [0, 0], sizes = [256, 256], strides = [1, 1]} : vector<352x256xf32> to vector<256x256xf32>
    %slice3A_5 = vector.extract_strided_slice %get3A_1 {offsets = [256, 0], sizes = [64, 256], strides = [1, 1]} : vector<352x256xf32> to vector<64x256xf32>
    %slice3A_6 = vector.extract_strided_slice %get3A_1 {offsets = [320, 0], sizes = [32, 256], strides = [1, 1]} : vector<352x256xf32> to vector<32x256xf32>
    %slice3A_7 = vector.extract_strided_slice %get3A_4 {offsets = [0, 0], sizes = [256, 256], strides = [1, 1]} : vector<352x256xf32> to vector<256x256xf32>
    %slice3A_8 = vector.extract_strided_slice %get3A_4 {offsets = [256, 0], sizes = [64, 256], strides = [1, 1]} : vector<352x256xf32> to vector<64x256xf32>
    %slice3A_9 = vector.extract_strided_slice %get3A_4 {offsets = [320, 0], sizes = [32, 256], strides = [1, 1]} : vector<352x256xf32> to vector<32x256xf32>
    %get3A_10 = arith.constant 0 : index
    %get3A_11 = arith.constant 0 : index
    %get3A_12 = vector.load %arg12[%get3A_10, %get3A_11] : memref<1x384xf32, #tpu.memory_space<vmem>>, vector<1x384xf32>
    %slice3A_13 = vector.extract_strided_slice %get3A_12 {offsets = [0, 0], sizes = [1, 128], strides = [1, 1]} : vector<1x384xf32> to vector<1x128xf32>
    %slice3A_14 = vector.extract_strided_slice %get3A_12 {offsets = [0, 128], sizes = [1, 256], strides = [1, 1]} : vector<1x384xf32> to vector<1x256xf32>
    %get3A_15 = arith.constant 0 : index
    %get3A_16 = arith.constant 0 : index
    %get3A_17 = arith.constant 0 : index
    %get3A_18 = vector.load %arg0[%get3A_15, %get3A_16, %get3A_17] : memref<32x100x128xf32, #tpu.memory_space<vmem>>, vector<32x100x128xf32>
    %reduce_sum3A = arith.constant dense<0.000000e+00> : vector<100x128xf32>
    %reduce_sum3A_19 = vector.multi_reduction <add>, %get3A_18, %reduce_sum3A [0] : vector<32x100x128xf32> to vector<100x128xf32>
    %broadcast_in_dim3A = arith.constant 1.000000e+00 : f32
    %broadcast_in_dim3A_20 = vector.broadcast %broadcast_in_dim3A : f32 to vector<100x1xf32>
    %dot_general3A = arith.constant dense<0.000000e+00> : vector<128x1xf32>
    %dot_general3A_21 = tpu.matmul %reduce_sum3A_19, %broadcast_in_dim3A_20, %dot_general3A {dimension_numbers = #tpu.dot_dimension_numbers<[0], [0], [1], [1], [0, 1, 1, 1], [], []>, transpose_lhs_hint = false} : vector<100x128xf32>, vector<100x1xf32>, vector<128x1xf32> -> vector<128x1xf32>
    %max3A = arith.constant 1.000000e+00 : f32
    %max3A_22 = vector.broadcast %max3A : f32 to vector<128x1xf32>
    %max3A_23 = arith.maximumf %dot_general3A_21, %max3A_22 : vector<128x1xf32>
    %slice3A_24 = vector.extract_strided_slice %max3A_23 {offsets = [0, 0], sizes = [100, 1], strides = [1, 1]} : vector<128x1xf32> to vector<100x1xf32>
    %get3A_25 = arith.constant 0 : index
    %get3A_26 = arith.constant 0 : index
    %get3A_27 = vector.load %arg1[%get3A_25, %get3A_26] : memref<100x256xf32, #tpu.memory_space<vmem>>, vector<100x256xf32>
    %get3A_28 = arith.constant 0 : index
    %get3A_29 = arith.constant 0 : index
    %get3A_30 = vector.load %arg2[%get3A_28, %get3A_29] : memref<100x64xf32, #tpu.memory_space<vmem>>, vector<100x64xf32>
    %get3A_31 = arith.constant 0 : index
    %get3A_32 = arith.constant 0 : index
    %get3A_33 = vector.load %arg3[%get3A_31, %get3A_32] : memref<100x32xf32, #tpu.memory_space<vmem>>, vector<100x32xf32>
    %get3A_34 = arith.constant 0 : index
    %get3A_35 = arith.constant 0 : index
    %get3A_36 = vector.load %arg4[%get3A_34, %get3A_35] : memref<32x32xf32, #tpu.memory_space<vmem>>, vector<32x32xf32>
    %dot_general3A_37 = arith.constant dense<0.000000e+00> : vector<100x32xf32>
    %dot_general3A_38 = tpu.matmul %get3A_33, %get3A_36, %dot_general3A_37 {dimension_numbers = #tpu.dot_dimension_numbers<[1], [0], [0], [1], [0, 0, 1, 1], [], []>, transpose_lhs_hint = false} : vector<100x32xf32>, vector<32x32xf32>, vector<100x32xf32> -> vector<100x32xf32>
    %get3A_39 = arith.constant 0 : index
    %get3A_40 = arith.constant 0 : index
    %get3A_41 = vector.load %arg5[%get3A_39, %get3A_40] : memref<1x32xf32, #tpu.memory_space<vmem>>, vector<1x32xf32>
    %add3A = vector.broadcast %get3A_41 : vector<1x32xf32> to vector<100x32xf32>
    %add3A_42 = arith.addf %dot_general3A_38, %add3A : vector<100x32xf32>
    %dot_general3A_43 = arith.constant dense<0.000000e+00> : vector<128x256xf32>
    %dot_general3A_44 = tpu.matmul %reduce_sum3A_19, %get3A_27, %dot_general3A_43 {dimension_numbers = #tpu.dot_dimension_numbers<[0], [0], [1], [1], [0, 1, 1, 1], [], []>, transpose_lhs_hint = false} : vector<100x128xf32>, vector<100x256xf32>, vector<128x256xf32> -> vector<128x256xf32>
    %slice3A_45 = vector.extract_strided_slice %dot_general3A_44 {offsets = [0, 0], sizes = [100, 256], strides = [1, 1]} : vector<128x256xf32> to vector<100x256xf32>
    %div3A = vector.broadcast %slice3A_24 : vector<100x1xf32> to vector<100x256xf32>
    %div3A_46 = arith.divf %slice3A_45, %div3A : vector<100x256xf32>
    %dot_general3A_47 = arith.constant dense<0.000000e+00> : vector<128x64xf32>
    %dot_general3A_48 = tpu.matmul %reduce_sum3A_19, %get3A_30, %dot_general3A_47 {dimension_numbers = #tpu.dot_dimension_numbers<[0], [0], [1], [1], [0, 1, 1, 1], [], []>, transpose_lhs_hint = false} : vector<100x128xf32>, vector<100x64xf32>, vector<128x64xf32> -> vector<128x64xf32>
    %slice3A_49 = vector.extract_strided_slice %dot_general3A_48 {offsets = [0, 0], sizes = [100, 64], strides = [1, 1]} : vector<128x64xf32> to vector<100x64xf32>
    %div3A_50 = vector.broadcast %slice3A_24 : vector<100x1xf32> to vector<100x64xf32>
    %div3A_51 = arith.divf %slice3A_49, %div3A_50 : vector<100x64xf32>
    %dot_general3A_52 = arith.constant dense<0.000000e+00> : vector<128x32xf32>
    %dot_general3A_53 = tpu.matmul %reduce_sum3A_19, %add3A_42, %dot_general3A_52 {dimension_numbers = #tpu.dot_dimension_numbers<[0], [0], [1], [1], [0, 1, 1, 1], [], []>, transpose_lhs_hint = false} : vector<100x128xf32>, vector<100x32xf32>, vector<128x32xf32> -> vector<128x32xf32>
    %slice3A_54 = vector.extract_strided_slice %dot_general3A_53 {offsets = [0, 0], sizes = [100, 32], strides = [1, 1]} : vector<128x32xf32> to vector<100x32xf32>
    %div3A_55 = vector.broadcast %slice3A_24 : vector<100x1xf32> to vector<100x32xf32>
    %div3A_56 = arith.divf %slice3A_54, %div3A_55 : vector<100x32xf32>
    %dot_general3A_57 = arith.constant dense<0.000000e+00> : vector<100x256xf32>
    %dot_general3A_58 = tpu.matmul %div3A_46, %slice3A, %dot_general3A_57 {dimension_numbers = #tpu.dot_dimension_numbers<[1], [0], [0], [1], [0, 0, 1, 1], [], []>, transpose_lhs_hint = false} : vector<100x256xf32>, vector<256x256xf32>, vector<100x256xf32> -> vector<100x256xf32>
    %dot_general3A_59 = arith.constant dense<0.000000e+00> : vector<100x256xf32>
    %dot_general3A_60 = tpu.matmul %div3A_51, %slice3A_5, %dot_general3A_59 {dimension_numbers = #tpu.dot_dimension_numbers<[1], [0], [0], [1], [0, 0, 1, 1], [], []>, transpose_lhs_hint = false} : vector<100x64xf32>, vector<64x256xf32>, vector<100x256xf32> -> vector<100x256xf32>
    %add3A_61 = arith.addf %dot_general3A_58, %dot_general3A_60 : vector<100x256xf32>
    %dot_general3A_62 = arith.constant dense<0.000000e+00> : vector<100x256xf32>
    %dot_general3A_63 = tpu.matmul %div3A_56, %slice3A_6, %dot_general3A_62 {dimension_numbers = #tpu.dot_dimension_numbers<[1], [0], [0], [1], [0, 0, 1, 1], [], []>, transpose_lhs_hint = false} : vector<100x32xf32>, vector<32x256xf32>, vector<100x256xf32> -> vector<100x256xf32>
    %add3A_64 = arith.addf %add3A_61, %dot_general3A_63 : vector<100x256xf32>
    %get3A_65 = arith.constant 0 : index
    %get3A_66 = arith.constant 0 : index
    %get3A_67 = vector.load %arg7[%get3A_65, %get3A_66] : memref<1x256xf32, #tpu.memory_space<vmem>>, vector<1x256xf32>
    %add3A_68 = vector.broadcast %get3A_67 : vector<1x256xf32> to vector<100x256xf32>
    %add3A_69 = arith.addf %add3A_64, %add3A_68 : vector<100x256xf32>
    %dot_general3A_70 = arith.constant dense<0.000000e+00> : vector<100x256xf32>
    %dot_general3A_71 = tpu.matmul %get3A_27, %slice3A_7, %dot_general3A_70 {dimension_numbers = #tpu.dot_dimension_numbers<[1], [0], [0], [1], [0, 0, 1, 1], [], []>, transpose_lhs_hint = false} : vector<100x256xf32>, vector<256x256xf32>, vector<100x256xf32> -> vector<100x256xf32>
    %add3A_72 = arith.addf %add3A_69, %dot_general3A_71 : vector<100x256xf32>
    %dot_general3A_73 = arith.constant dense<0.000000e+00> : vector<100x256xf32>
    %dot_general3A_74 = tpu.matmul %get3A_30, %slice3A_8, %dot_general3A_73 {dimension_numbers = #tpu.dot_dimension_numbers<[1], [0], [0], [1], [0, 0, 1, 1], [], []>, transpose_lhs_hint = false} : vector<100x64xf32>, vector<64x256xf32>, vector<100x256xf32> -> vector<100x256xf32>
    %add3A_75 = arith.addf %add3A_72, %dot_general3A_74 : vector<100x256xf32>
    %dot_general3A_76 = arith.constant dense<0.000000e+00> : vector<100x256xf32>
    %dot_general3A_77 = tpu.matmul %add3A_42, %slice3A_9, %dot_general3A_76 {dimension_numbers = #tpu.dot_dimension_numbers<[1], [0], [0], [1], [0, 0, 1, 1], [], []>, transpose_lhs_hint = false} : vector<100x32xf32>, vector<32x256xf32>, vector<100x256xf32> -> vector<100x256xf32>
    %add3A_78 = arith.addf %add3A_75, %dot_general3A_77 : vector<100x256xf32>
    %max3A_79 = arith.constant 0.000000e+00 : f32
    %max3A_80 = vector.broadcast %max3A_79 : f32 to vector<100x256xf32>
    %max3A_81 = arith.maximumf %add3A_78, %max3A_80 : vector<100x256xf32>
    %dot_general3A_82 = arith.constant dense<0.000000e+00> : vector<128x256xf32>
    %dot_general3A_83 = tpu.matmul %reduce_sum3A_19, %max3A_81, %dot_general3A_82 {dimension_numbers = #tpu.dot_dimension_numbers<[0], [0], [1], [1], [0, 1, 1, 1], [], []>, transpose_lhs_hint = false} : vector<100x128xf32>, vector<100x256xf32>, vector<128x256xf32> -> vector<128x256xf32>
    %slice3A_84 = vector.extract_strided_slice %dot_general3A_83 {offsets = [0, 0], sizes = [100, 256], strides = [1, 1]} : vector<128x256xf32> to vector<100x256xf32>
    %div3A_85 = vector.broadcast %slice3A_24 : vector<100x1xf32> to vector<100x256xf32>
    %div3A_86 = arith.divf %slice3A_84, %div3A_85 : vector<100x256xf32>
    %get3A_87 = arith.constant 0 : index
    %get3A_88 = arith.constant 0 : index
    %get3A_89 = vector.load %arg9[%get3A_87, %get3A_88] : memref<256x128xf32, #tpu.memory_space<vmem>>, vector<256x128xf32>
    %dot_general3A_90 = arith.constant dense<0.000000e+00> : vector<100x128xf32>
    %dot_general3A_91 = tpu.matmul %div3A_86, %get3A_89, %dot_general3A_90 {dimension_numbers = #tpu.dot_dimension_numbers<[1], [0], [0], [1], [0, 0, 1, 1], [], []>, transpose_lhs_hint = false} : vector<100x256xf32>, vector<256x128xf32>, vector<100x128xf32> -> vector<100x128xf32>
    %get3A_92 = arith.constant 0 : index
    %get3A_93 = arith.constant 0 : index
    %get3A_94 = vector.load %arg10[%get3A_92, %get3A_93] : memref<1x128xf32, #tpu.memory_space<vmem>>, vector<1x128xf32>
    %add3A_95 = vector.broadcast %get3A_94 : vector<1x128xf32> to vector<100x128xf32>
    %add3A_96 = arith.addf %dot_general3A_91, %add3A_95 : vector<100x128xf32>
    %get3A_97 = arith.constant 0 : index
    %get3A_98 = arith.constant 0 : index
    %get3A_99 = vector.load %arg11[%get3A_97, %get3A_98] : memref<256x128xf32, #tpu.memory_space<vmem>>, vector<256x128xf32>
    %dot_general3A_100 = arith.constant dense<0.000000e+00> : vector<100x128xf32>
    %dot_general3A_101 = tpu.matmul %max3A_81, %get3A_99, %dot_general3A_100 {dimension_numbers = #tpu.dot_dimension_numbers<[1], [0], [0], [1], [0, 0, 1, 1], [], []>, transpose_lhs_hint = false} : vector<100x256xf32>, vector<256x128xf32>, vector<100x128xf32> -> vector<100x128xf32>
    %add3A_102 = arith.addf %add3A_96, %dot_general3A_101 : vector<100x128xf32>
    %mul3A = vector.broadcast %slice3A_13 : vector<1x128xf32> to vector<100x128xf32>
    %mul3A_103 = arith.mulf %add3A_102, %mul3A : vector<100x128xf32>
    %reduce_sum3A_104 = arith.constant dense<0.000000e+00> : vector<100xf32>
    %reduce_sum3A_105 = vector.multi_reduction <add>, %mul3A_103, %reduce_sum3A_104 [1] : vector<100x128xf32> to vector<100xf32>
    %broadcast_in_dim3A_106 = vector.shape_cast %reduce_sum3A_105 : vector<100xf32> to vector<100x1xf32>
    %mul3A_107 = vector.broadcast %slice3A_14 : vector<1x256xf32> to vector<100x256xf32>
    %mul3A_108 = arith.mulf %get3A_27, %mul3A_107 : vector<100x256xf32>
    %reduce_sum3A_109 = arith.constant dense<0.000000e+00> : vector<100xf32>
    %reduce_sum3A_110 = vector.multi_reduction <add>, %mul3A_108, %reduce_sum3A_109 [1] : vector<100x256xf32> to vector<100xf32>
    %broadcast_in_dim3A_111 = vector.shape_cast %reduce_sum3A_110 : vector<100xf32> to vector<100x1xf32>
    %add3A_112 = arith.addf %broadcast_in_dim3A_106, %broadcast_in_dim3A_111 : vector<100x1xf32>
    %get3A_113 = arith.constant 0 : index
    %get3A_114 = arith.constant 0 : index
    %get3A_115 = vector.load %arg13[%get3A_113, %get3A_114] : memref<1x1xf32, #tpu.memory_space<vmem>>, vector<1x1xf32>
    %add3A_116 = vector.broadcast %get3A_115 : vector<1x1xf32> to vector<100x1xf32>
    %add3A_117 = arith.addf %add3A_112, %add3A_116 : vector<100x1xf32>
    %swap3A = arith.constant 0 : index
    %swap3A_118 = arith.constant 0 : index
    %swap3A_119 = vector.load %arg14[%swap3A, %swap3A_118] : memref<100x1xf32, #tpu.memory_space<vmem>>, vector<100x1xf32>
    tpu.vector_store %arg14[%swap3A, %swap3A_118], %add3A_117 {strides = array<i32>} : memref<100x1xf32, #tpu.memory_space<vmem>>, vector<100x1xf32>,
    return
  }
}

</mosaic_0001>

<sc_bundles>
// kernel: kernel.5.cloned.1.call-start
scs
__scs_entry_jumppad:
0x0: {  	(pc) =	sbr.rel $0x88, $3  }
0x1: {  	(tag) =	ssettag $0x0;
	lr =	simm.s32 $0x1  }
0x2: {  	[smem:$0x3F8F] =	sst lr;
	_ =	strace $0xD0000000  }
0x3: {  	_ = 	snop  }
0x4: {  	_ = 	snop  }
0x5: {  	_ = 	snop  }
0x6: {  	_ = 	snop  }
0x7: {  	_ = 	snop  }
__scs_overlays_trampoline_lowered:
0x8: {  	[smem:$0x3F9E] =	sst s0  }
0x9: {  	[smem:$0x3F9F] =	sst s1  }
0xa: {  	[smem:$0x3FA0] =	sst s2  }
0xb: {  	[smem:$0x3FA1] =	sst s3  }
0xc: {  	[smem:$0x3FA2] =	sst s4  }
0xd: {  	[smem:$0x3FA3] =	sst s5  }
0xe: {  	[smem:$0x3FA4] =	sst s6  }
0xf: {  	[smem:$0x3FA5] =	sst s7  }
0x10: {  	[smem:$0x3FA6] =	sst s8  }
0x11: {  	[smem:$0x3FA7] =	sst s9;
	s0 =	simm.s32 @!p0 $0x0  }
0x12: {  	s1 =	sld [smem:$0x3F8D];
	s0 =	simm.s32 @p0 $0x1  }
0x13: {  	[smem:$0x3FA8] =	sst s0;
	s0 =	simm.s32 @!p1 $0x0  }
0x14: {  	s2 =	sld [smem:$0x3F8C];
	s0 =	simm.s32 @p1 $0x1  }
0x15: {  	[smem:$0x3FA9] =	sst s0;
	s0 =	simm.s32 @!p2 $0x0  }
0x16: {  	s3 =	sld [smem:$0x3FDB];
	s0 =	simm.s32 @p2 $0x1  }
0x17: {  	s4 =	simm.s32 $0x1BF5;
	[smem:$0x3FAB] =	sst s0  }
0x18: {  	s0 =	sld [smem:$0x3F8E];
	_ =	swait.ge [sflag:s4], $0x0  }
0x19: {  	s7 =	sld [smem:$0x3F8F]  }
0x1a: {  	s8 =	sadd.s32 $0xFFFFE003, lr  }
0x1b: {  	s9 =	sadd.s32 $0xFFFFFEF7, lr;
	s5 =	simm.s32 $0xFFFFFFFF;
	p2 =	slt.u32 s8, $0xFFFFF086  }
0x1c: {  	p1 =	slt.u32 s9, $0xF7A;
	s5 =	simm.s32 @!p2 $0x0  }
0x1d: {  	s5 =	simm.s32 @p1 $0x1;
	p0 =	seq.s32 s7, s2  }
0x1e: {  	s7 =	smul.u32 @!p0 $0xF7A, s2;
	p2 =	seq.s32 @!p0 s5, $0x0  }
0x1f: {  	s9 =	smul.u32 $0xF7A, s1;
	s8 =	simm.s32 @!p0 $0x1BF5;
	p2 =	por !p2, p0  }
0x20: {  	[sflag:s8] =	ssyncset.s32 @!p0 $0xFFFFF086;
	s6 =	sadd.s32 @!p0 s3, s7;
	s7 =	simm.s32 @!p0 $0x108  }
0x21: {  	s3 =	sadd.s32 s3, s9;
	s6 =	sadd.s32 @!p0 $0x88, s6;
	s7 =	simm.s32 @p2 $0x1082  }
0x22: {  	[simem:s7], [sflag:s8] =	dma.local @!p0 [hbm:s6], $0xF7A  }
0x23: {  	s9 =	sor.u32 $0xD0000000, s2;
	s6 =	simm.s32 $0x108;
	_ =	swait.ge @!p0 [sflag:s8], $0x0  }
0x24: {  	s3 =	sadd.s32 $0x88, s3;
	s6 =	simm.s32 @!p1 $0x1082;
	[sflag:s4] =	ssyncset.s32 $0xFFFFF086  }
0x25: {  	[simem:s6], [sflag:s4] =	dma.local [hbm:s3], $0xF7A  }
0x26: {  	[smem:$0x3F8F] =	sst s1;
	(tag) =	ssettag s2;
	_ =	strace s9  }
0x27: {  	s1 =	sld [smem:$0x3F9F]  }
0x28: {  	s2 =	sld [smem:$0x3FA0]  }
0x29: {  	s4 =	sld [smem:$0x3FA2]  }
0x2a: {  	p0 =	seq.s32 s5, $0x0;
	s5 =	sld [smem:$0x3FA3]  }
0x2b: {  	s6 =	sld [smem:$0x3FA4]  }
0x2c: {  	s7 =	sld [smem:$0x3FA5]  }
0x2d: {  	s3 =	simm.s32 $0x108;
	s8 =	sld [smem:$0x3FA6]  }
0x2e: {  	s3 =	simm.s32 @!p0 $0x1082;
	s9 =	sld [smem:$0x3FA7]  }
0x2f: {  	lr =	sadd.s32 s0, s3;
	s0 =	sld [smem:$0x3F9E]  }
0x30: {  	s3 =	sld [smem:$0x3FA1]  }
0x31: {  	[smem:$0x3FAA] =	sst s10  }
0x32: {  	s10 =	sld [smem:$0x3FA8];
	_ =	sdelay $0x3  }
0x33: {  	p0 =	seq.s32 s10, $0x1;
	s10 =	sld [smem:$0x3FAA];
	_ =	sdelay $0x3  }
0x34: {  	[smem:$0x3FAA] =	sst s10  }
0x35: {  	s10 =	sld [smem:$0x3FA9];
	_ =	sdelay $0x3  }
0x36: {  	p1 =	seq.s32 s10, $0x1;
	s10 =	sld [smem:$0x3FAA];
	_ =	sdelay $0x3  }
0x37: {  	[smem:$0x3FAA] =	sst s10  }
0x38: {  	s10 =	sld [smem:$0x3FAB]  }
0x39: {  	_ = 	snop;
	(pc) =	sbr.ind lr, $3  }
0x3a: {  	_ = 	snop  }
0x3b: {  	_ = 	snop  }
0x3c: {  	p2 =	seq.s32 s10, $0x1;
	s10 =	sld [smem:$0x3FAA]  }
0x3d: {  	_ =	shalt  }
0x3e: {  	_ =	shalt  }
0x3f: {  	_ =	shalt  }
0x40: {  	_ =	shalt  }
0x41: {  	_ =	shalt  }
0x42: {  	_ =	shalt  }
0x43: {  	_ =	shalt  }
0x44: {  	_ =	shalt  }
0x45: {  	_ =	shalt  }
0x46: {  	_ =	shalt  }
0x47: {  	_ =	shalt  }
0x48: {  	_ =	shalt  }
0x49: {  	_ =	shalt  }
0x4a: {  	_ =	shalt  }
0x4b: {  	_ =	shalt  }
0x4c: {  	_ =	shalt  }
0x4d: {  	_ =	shalt  }
0x4e: {  	_ =	shalt  }
0x4f: {  	_ =	shalt  }
0x50: {  	_ =	shalt  }
0x51: {  	_ =	shalt  }
0x52: {  	_ =	shalt  }
0x53: {  	_ =	shalt  }
0x54: {  	_ =	shalt  }
0x55: {  	_ =	shalt  }
0x56: {  	_ =	shalt  }
0x57: {  	_ =	shalt  }
0x58: {  	_ =	shalt  }
0x59: {  	_ =	shalt  }
0x5a: {  	_ =	shalt  }
0x5b: {  	_ =	shalt  }
0x5c: {  	_ =	shalt  }
0x5d: {  	_ =	shalt  }
0x5e: {  	_ =	shalt  }
0x5f: {  	_ =	shalt  }
0x60: {  	_ =	shalt  }
0x61: {  	_ =	shalt  }
0x62: {  	_ =	shalt  }
0x63: {  	_ =	shalt  }
0x64: {  	_ =	shalt  }
0x65: {  	_ =	shalt  }
0x66: {  	_ =	shalt  }
0x67: {  	_ =	shalt  }
0x68: {  	_ =	shalt  }
0x69: {  	_ =	shalt  }
0x6a: {  	_ =	shalt  }
0x6b: {  	_ =	shalt  }
0x6c: {  	_ =	shalt  }
0x6d: {  	_ =	shalt  }
0x6e: {  	_ =	shalt  }
0x6f: {  	_ =	shalt  }
0x70: {  	_ =	shalt  }
0x71: {  	_ =	shalt  }
0x72: {  	_ =	shalt  }
0x73: {  	_ =	shalt  }
0x74: {  	_ =	shalt  }
0x75: {  	_ =	shalt  }
0x76: {  	_ =	shalt  }
0x77: {  	_ =	shalt  }
0x78: {  	_ =	shalt  }
0x79: {  	_ =	shalt  }
0x7a: {  	_ =	shalt  }
0x7b: {  	_ =	shalt  }
0x7c: {  	_ =	shalt  }
0x7d: {  	_ =	shalt  }
0x7e: {  	_ =	shalt  }
0x7f: {  	_ =	shalt  }
0x80: {  	_ =	shalt  }
0x81: {  	_ =	shalt  }
0x82: {  	_ =	shalt  }
0x83: {  	_ =	shalt  }
0x84: {  	_ =	shalt  }
0x85: {  	_ =	shalt  }
0x86: {  	_ =	shalt  }
0x87: {  	_ =	shalt  }
.Lfunc_end0:
.L_simem_size_0:
called_computation_lowered:
.L_overlay_start_0:
0x88: {  	s2 =	sld [smem:$0x3FD9]  }
0x89: {  	s3 =	sld [smem:$0x3FFE];
	_ =	sdelay $0x1  }
0x8a: {  	s1 =	srdreg.scid  }
0x8b: {  	s0 =	sand.u32 $0x1, s1  }
0x8c: {  	s17 =	sshll.u32 s0, $0xA;
	s2 =	sadd.s32 s3, s2  }
0x8d: {  	s2 =	sadd.s32 s2, s17  }
0x8e: {  	[smem:$0x3FB6] =	sst s2  }
0x8f: {  	_ = 	snop  }
0x90: {  	s2 =	sld [smem:$0x3FC7];
	(tm) =	ssettm $0x1  }
0x91: {  	s18 =	sld [smem:$0x3FFB];
	_ =	sdelay $0x3  }
0x92: {  	_ =	strace s18  }
0x93: {  	s3 =	sld [smem:$0x3FFC];
	_ =	sdelay $0x3  }
0x94: {  	_ =	strace s3  }
0x95: {  	s3 =	sld [smem:$0x3FFD];
	_ =	sdelay $0x3  }
0x96: {  	_ =	strace s3  }
0x97: {  	_ =	strace $0x8FFFFFFF  }
0x98: {  	s19 =	sld [smem:$0x3FDB];
	_ =	sdelay $0x1  }
0x99: {  	s4 =	simm.s32 $_scs_section_size  }
0x9a: {  	s5 =	simm.s32 $_size__tile_overlayer_lowered;
	s6 =	simm.s32 $_tile_overlayer_lowered  }
0x9b: {  	s22 =	simm.s32 $0x1BFF;
	s21 =	sshll.u32 s6, $0x1;
	s3 =	sadd.s32 s4, s19  }
0x9c: {  	s7 =	simm.s32 $0x0;
	s20 =	sshll.u32 s5, $0x1;
	s5 =	sadd.s32 s21, s3  }
0x9d: {  	[timem:s7], [sflag:s22] =	dma.local [hbm:s5], s20  }
0x9e: {  	_ =	swait.ge [sflag:s22], s20  }
0x9f: {  	s4 =	ssub.s32 $0x0, s20;
	[sflag:s22] =	ssyncset.done $0x0  }
0xa0: {  	[sflag:s22] =	ssyncadd.s32 s4;
	_ =	sdelay $0x1  }
0xa1: {  	s23 =	simm.s32 $0x1B8B  }
0xa2: {  	_ =	swait.ge [sflag:s23], $0x1  }
0xa3: {  	[sflag:s23] =	ssyncset.done $0x0  }
0xa4: {  	s25 =	simm.s32 $0x1B8E;
	s24 =	sld [smem:$0x3FFE];
	[sflag:s23] =	ssyncadd.s32 $0xFFFFFFFF  }
0xa5: {  	s26 =	simm.s32 $execute0_lowered;
	[smem:$0x3FD2] =	sst s25  }
0xa6: {  	s5 =	sshll.u32 s26, $0x1;
	_ =	strace $0x80000046;
	[dreg:$0x1] =	wrdreg $0xFFFFFFFF  }
0xa7: {  	s28 =	simm.s32 $_size_execute0_lowered;
	s3 =	sadd.s32 s3, s5;
	[dreg:$0x0] =	wrdreg $0x0  }
0xa8: {  	s5 =	sshll.u32 s28, $0x1;
	[dreg:$0x2] =	wrdreg s3  }
0xa9: {  	[dreg:$0x3] =	wrdreg s5  }
0xaa: {  	[dreg:$0x4] =	wrdreg $0xC0  }
0xab: {  	_ =	task [dreg:s7], $0x5FFFF  }
0xac: {  	[dreg:$0x1] =	wrdreg $0xFFFFFFFF  }
0xad: {  	[dreg:$0x0] =	wrdreg $0x60  }
0xae: {  	[dreg:$0x2] =	wrdreg s2  }
0xaf: {  	[dreg:$0x3] =	wrdreg s24  }
0xb0: {  	[dreg:$0x4] =	wrdreg $0x9  }
0xb1: {  	_ =	task.clear_ibuf [dreg:s7], $0x5FFFF;
	_ =	strace $0x90000046  }
0xb2: {  	s29 =	simm.s32 $0x9;
	_ =	strace $0x80000048  }
0xb3: {  	_ =	swait.ge [sflag:s29], $0x1  }
0xb4: {  	[sflag:s29] =	ssyncadd.s32 $0xFFFFFFFF  }
0xb5: {  	_ =	strace $0x90000048  }
0xb6: {  	_ =	sfence  }
0xb7: {  	s30 =	sld [smem:$0x0];
	_ =	sdelay $0x2  }
0xb8: {  	s31 =	sshll.u32 s1, $0xD;
	s1 =	sshrl.u32 s1, $0x2  }
0xb9: {  	s3 =	sand.u32 $0x4000, s31;
	s1 =	sadd.s32 s1, s30  }
0xba: {  	s0 =	sor.u32 s3, s0;
	s1 =	sshll.u32 s1, $0x11  }
0xbb: {  	s0 =	sor.u32 s1, s0  }
0xbc: {  	s0 =	sadd.s32 $0x8F2B, s0  }
0xbd: {  	[sflag:s0] =	ssyncadd.remote.s32 $0x1  }
0xbe: {  	_ =	sfence.sel $0xFFFF  }
0xbf: {  	[dreg:$0x0] =	wrdreg $0xFFFFFFFF;
	(pc) =	sbr.abs _section_cstart, $3  }
0xc0: {  	[dreg:$0x1] =	wrdreg $0xFFFFFFFF  }
0xc1: {  	_ =	task.clear_ibuf [dreg:s7], $0x2FFFF;
	_ =	strace $0x9FFFFFFF  }
0xc2: {  	(tm) =	ssettm $0x7FFFFFFF  }
0xc3: {  	_ =	shalt  }
tec
execute0_lowered:
.L_overlay_start_1:
0x0: {  	(tag) =	ssettag $0x1  }
0x1: {  	s4 =	rddreg [dreg:$0x0];
	s1 =	srdreg.scid  }
0x2: {  	s0 =	stileid.u32;
	s5 =	rddreg [dreg:$0x1];
	s10 =	simm.s32 $0x80  }
0x3: {  	s11 =	simm.s32 $0x400;
	s6 =	sand.u32 $0x1, s1;
	s2 =	sshll.u32 s0, $0x1  }
0x4: {  	s1 =	rddreg [dreg:$0x2];
	s3 =	sshrl.u32 s0, $0x2;
	s8 =	sor.u32 s6, s2  }
0x5: {  	s2 =	simm.s32 $0x0;
	s7 =	smul.u32 $0x19000, s3;
	s3 =	sadd.s32 $0x1E00, s5  }
0x6: {  	s6 =	ssub.s32 $0x2, s6;
	s28 =	sshll.u32 s8, $0x7;
	[smem:$0x7FF] =	sst s2  }
0x7: {  	s29 =	sshll.u32 s8, $0x5;
	s30 =	sshrl.u32 s6, $0x1;
	s9 =	sand.u32 $0x380, s28  }
0x8: {  	p0 =	sgt.u32 s8, $0x18;
	s8 =	simm.s32 $0x100;
	s7 =	sor.u32 s7, s9  }
0x9: {  	_ =	strace $0x80000047;
	s4 =	sadd.s32 s4, s29;
	s7 =	sshrl.u32 s7, $0x3  }
0xa: {  	s31 =	ssub.s32 s6, s30;
	s9 =	simm.s32 $0x1;
	s7 =	sadd.s32 s7, s5  }
0xb: {  	s5 =	sadd.s32 $0x10, s4;
	s6 =	sadd.s32 $0x2600, s7;
	s7 =	smax.u32 s31, $0x1  }
.LBB2_1:
0xc: {  	[tilespmem:s8], [sflag:$0x1] =	stream.linear.gather [hbm4b:s3+s2], $0x3200, $0x38;
	[tilespmem:$0x3300] =	vst v63  }
0xd: {  	_ =	swait.ge [sflag:s9], $0x3200  }
0xe: {  	[sflag:s9] =	ssyncset.done $0x0  }
0xf: {  	s12 =	simm.s32 @!p0 $0x0;
	s13 =	simm.s32 @!p0 $0x1;
	[sflag:s9] =	ssyncadd.s32 $0xFFFFCE00  }
0x10: {  	[tilespmem:s12], [sflag:$0x1] =	stream.linear.gather @!p0 [hbm4b:s4+s12], $0x80, $0x38;
	[tilespmem:$0x3300] =	vst v63  }
0x11: {  	_ =	swait.ge @!p0 [sflag:s13], $0x80  }
0x12: {  	[sflag:s13] =	ssyncset.done @!p0 $0x0  }
0x13: {  	s14 =	simm.s32 @!p0 $0x80;
	[sflag:s13] =	ssyncadd.s32 @!p0 $0xFFFFFF80  }
0x14: {  	[tilespmem:s14], [sflag:$0x1] =	stream.linear.gather @!p0 [hbm4b:s5+s12], $0x80, $0x38;
	[tilespmem:$0x3300] =	vst v63  }
0x15: {  	_ =	swait.ge @!p0 [sflag:s13], $0x80  }
0x16: {  	[sflag:s13] =	ssyncset.done @!p0 $0x0  }
0x17: {  	[sflag:s13] =	ssyncadd.s32 @!p0 $0xFFFFFF80  }
0x18: {  	v0 =	vld @!p0 [tilespmem:$0x0]  }
0x19: {  	v1 =	vld @!p0 [tilespmem:$0x80];
	_ =	sdelay $0x3  }
0x1a: {  	v0 =	vshll.u32 @!p0 v0, $0x7  }
0x1b: {  	v0 =	vadd.s32 @!p0 v0, v1;
	_ =	sdelay $0x3  }
0x1c: {  	s12 =	simm.s32 @!p0 $0x100;
	v1 =	vimm.f32 @!p0 $1.000000000e+00  }
0x1d: {  	[tilespmem:v0+s12+$0x0] =	vst.idx.add.f32.msk @!p0 $0xffff, v1  }
0x1e: {  	v0 =	vld @!p0 [tilespmem:$0x10]  }
0x1f: {  	v2 =	vld @!p0 [tilespmem:$0x90];
	_ =	sdelay $0x3  }
0x20: {  	v0 =	vshll.u32 @!p0 v0, $0x7  }
0x21: {  	v0 =	vadd.s32 @!p0 v0, v2;
	_ =	sdelay $0x4  }
0x22: {  	[tilespmem:v0+s12+$0x0] =	vst.idx.add.f32.msk @!p0 $0xffff, v1  }
0x23: {  	v0 =	vld @!p0 [tilespmem:$0x20]  }
0x24: {  	v2 =	vld @!p0 [tilespmem:$0xA0];
	_ =	sdelay $0x3  }
0x25: {  	v0 =	vshll.u32 @!p0 v0, $0x7  }
0x26: {  	v0 =	vadd.s32 @!p0 v0, v2;
	_ =	sdelay $0x4  }
0x27: {  	[tilespmem:v0+s12+$0x0] =	vst.idx.add.f32.msk @!p0 $0xffff, v1  }
0x28: {  	v0 =	vld @!p0 [tilespmem:$0x30]  }
0x29: {  	v2 =	vld @!p0 [tilespmem:$0xB0];
	_ =	sdelay $0x3  }
0x2a: {  	v0 =	vshll.u32 @!p0 v0, $0x7  }
0x2b: {  	v0 =	vadd.s32 @!p0 v0, v2;
	_ =	sdelay $0x4  }
0x2c: {  	[tilespmem:v0+s12+$0x0] =	vst.idx.add.f32.msk @!p0 $0xffff, v1  }
0x2d: {  	v0 =	vld @!p0 [tilespmem:$0x40]  }
0x2e: {  	v2 =	vld @!p0 [tilespmem:$0xC0];
	_ =	sdelay $0x3  }
0x2f: {  	v0 =	vshll.u32 @!p0 v0, $0x7  }
0x30: {  	v0 =	vadd.s32 @!p0 v0, v2;
	_ =	sdelay $0x4  }
0x31: {  	[tilespmem:v0+s12+$0x0] =	vst.idx.add.f32.msk @!p0 $0xffff, v1  }
0x32: {  	v0 =	vld @!p0 [tilespmem:$0x50]  }
0x33: {  	v2 =	vld @!p0 [tilespmem:$0xD0];
	_ =	sdelay $0x3  }
0x34: {  	v0 =	vshll.u32 @!p0 v0, $0x7  }
0x35: {  	v0 =	vadd.s32 @!p0 v0, v2;
	_ =	sdelay $0x4  }
0x36: {  	[tilespmem:v0+s12+$0x0] =	vst.idx.add.f32.msk @!p0 $0xffff, v1  }
0x37: {  	v0 =	vld @!p0 [tilespmem:$0x60]  }
0x38: {  	v2 =	vld @!p0 [tilespmem:$0xE0];
	_ =	sdelay $0x3  }
0x39: {  	v0 =	vshll.u32 @!p0 v0, $0x7  }
0x3a: {  	v0 =	vadd.s32 @!p0 v0, v2;
	_ =	sdelay $0x4  }
0x3b: {  	[tilespmem:v0+s12+$0x0] =	vst.idx.add.f32.msk @!p0 $0xffff, v1  }
0x3c: {  	v0 =	vld @!p0 [tilespmem:$0x70]  }
0x3d: {  	v2 =	vld @!p0 [tilespmem:$0xF0];
	_ =	sdelay $0x3  }
0x3e: {  	v0 =	vshll.u32 @!p0 v0, $0x7  }
0x3f: {  	v0 =	vadd.s32 @!p0 v0, v2;
	_ =	sdelay $0x2  }
0x40: {  	s7 =	sadd.s32 $0xFFFFFFFF, s7  }
0x41: {  	p1 =	sne.s32 s7, $0x0  }
.Ltmp0:
0x42: {  	[tilespmem:v0+s12+$0x0] =	vst.idx.add.f32.msk @!p0 $0xffff, v1;
	(pc) =	sbr.rel @p1 .LBB2_1-.Ltmp0, $4  }
0x43: {  	[hbm4b:s6+s10] =	stream.strided.scatter [tilespmem:s8], [sflag:$0x1], $0x3200, s11, s10, $0x38;
	[tilespmem:$0x3300] =	vst v63  }
0x44: {  	_ =	swait.ge [sflag:s9], $0x3200  }
0x45: {  	[sflag:s9] =	ssyncset.done $0x0  }
0x46: {  	[sflag:s9] =	ssyncadd.s32 $0xFFFFCE00  }
0x47: {  	_ =	sfence.sel $0x180000  }
0x48: {  	[bflag:$0x0] =	sbarrier.arrive $0xFFFF  }
0x49: {  	p0 =	sne.s32 s0, $0x0;
	_ =	strace $0x90000047  }
0x4a: {  	s0 =	sadd.s32 @!p0 $0x100000, s1;
	[bflag:$0x2] =	sbarrier.arrive $0xFFFF  }
0x4b: {  	[sflag:s0] =	ssyncadd.tile.s32 @!p0 $0x1;
	_ =	shalt  }
.Lfunc_end2:
_tile_overlayer_lowered:
.L_overlay_start_2:
0x4c: {  	(tag) =	ssettag $0x2  }
0x4d: {  	s0 =	rddreg [dreg:$0x0];
	s2 =	stileid.u32  }
0x4e: {  	s1 =	rddreg [dreg:$0x1];
	p0 =	sne.s32 s2, $0x0  }
0x4f: {  	s3 =	rddreg [dreg:$0x2];
	[bflag:$0x3] =	sbarrier.arrive $0xFFFF;
	s2 =	simm.s32 @!p0 $0x1C01  }
0x50: {  	[timem:s3], [sflag:s2] =	dma.local @!p0 [hbm:s0], s1  }
0x51: {  	s0 =	simm.s32 @!p0 $0x1  }
0x52: {  	_ =	swait.ge @!p0 [sflag:s0], s1  }
0x53: {  	s1 =	ssub.s32 @!p0 $0x0, s1;
	[sflag:s0] =	ssyncset.done @!p0 $0x0  }
0x54: {  	[sflag:s0] =	ssyncadd.s32 @!p0 s1  }
0x55: {  	[bflag:$0x3] =	sbarrier.arrive $0xFFFF  }
0x56: {  	_ =	shalt  }

</sc_bundles>
